<compile_context>
chip_gen: v7x
topology: tpu7x:2x2x1
jax: 0.10.2.dev20260603
libtpu: 0.0.44.dev20260713+nightly
codegen_flags: <defaults>
</compile_context>

<pallas_src>
import jax
import jax.numpy as jnp
from jax import lax
from jax.experimental import pallas as pl
from jax.experimental.pallas import tpu as pltpu
from jax.experimental.pallas import tpu_sc as plsc

B = 16384
NC, NS, L = 1, 16, 16
NW = NC * NS
CH = B // NW
NV = CH // L

LOG_SCALE_MEAN = 2.5
SQRT2 = 1.4142135623730951
LOG10_2 = 0.30102999566398119521
INV_LN10 = 0.43429448190325182765


_P0 = 4.971411304351899e-06 - LOG_SCALE_MEAN
_P1 = 0.4339324544622425
_P2 = -0.2126736127194115
_P3 = 0.12326284224157259
_P4 = -0.0564396938266918
_P5 = 0.012945782257621382


def _log_scale_norm(x):
    bits = lax.bitcast_convert_type(x, jnp.int32)
    e = jnp.right_shift(bits, 23) - 127
    t = lax.bitcast_convert_type((bits & 0x007FFFFF) | 0x3F800000,
                                 jnp.float32) - 1.0
    p = _P0 + t * (_P1 + t * (_P2 + t * (_P3 + t * (_P4 + t * _P5))))
    return e.astype(jnp.float32) * LOG10_2 + p


def _sc_body(dom_hbm, sc_hbm, rn_hbm, bg_hbm, out_hbm,
             dom_v, sc_v, rn_v, bg_v, out_v, sem, osem):
    wid = lax.axis_index("s") * NC + lax.axis_index("c")
    base = wid * CH
    copies = [
        pltpu.make_async_copy(dom_hbm.at[pl.ds(base, CH)], dom_v, sem),
        pltpu.make_async_copy(sc_hbm.at[pl.ds(base, CH)], sc_v, sem),
        pltpu.make_async_copy(rn_hbm.at[pl.ds(base, CH)], rn_v, sem),
        pltpu.make_async_copy(bg_hbm.at[pl.ds(base, CH)], bg_v, sem),
    ]
    for c in copies:
        c.start()
    for c in copies:
        c.wait()
    nsplit = 2
    part = CH // nsplit
    out_copies = [
        pltpu.make_async_copy(out_v.at[:, pl.ds(h * part, part)],
                              out_hbm.at[:, pl.ds(base + h * part, part)],
                              osem)
        for h in range(nsplit)
    ]
    def _compute(i):
        sl = pl.ds(i, L)
        dom = dom_v[sl]
        cs = jnp.maximum(sc_v[sl], 1e-6)
        inv = 1.0 / cs
        cols = (
            jnp.where(dom == 0, 1.0, 0.0),
            jnp.where(dom == 1, 1.0, 0.0),
            jnp.where(dom == 2, 1.0, 0.0),
            _log_scale_norm(cs),
            rn_v[sl] * inv,
            bg_v[sl] * inv,
        )
        for c, val in enumerate(cols):
            out_v[c, pl.ds(i, L)] = val

    for h in range(nsplit):
        @plsc.parallel_loop(h * part, (h + 1) * part, step=L, unroll=2)
        def _chunk(i):
            _compute(i)

        out_copies[h].start()
    for h in range(nsplit):
        out_copies[h].wait()


@jax.jit
def kernel(domain, scale, read_noise, background):
    run = pl.kernel(
        _sc_body,
        out_type=jax.ShapeDtypeStruct((6, B), jnp.float32),
        mesh=plsc.VectorSubcoreMesh(
            core_axis_name="c", subcore_axis_name="s",
            num_cores=NC, num_subcores=NS),
        scratch_types=[
            pltpu.VMEM((CH,), jnp.int32),
            pltpu.VMEM((CH,), jnp.float32),
            pltpu.VMEM((CH,), jnp.float32),
            pltpu.VMEM((CH,), jnp.float32),
            pltpu.VMEM((6, CH), jnp.float32),
            pltpu.SemaphoreType.DMA,
            pltpu.SemaphoreType.DMA,
        ],
        compiler_params=pltpu.CompilerParams(needs_layout_passes=False),
    )
    return run(domain, scale, read_noise, background).T

# --- scband reference (transcript-rebuilt; emitter-appended) ---
"""Pipeline reference for scband-domain-encoder-2765958939026 (READ-ONLY COPY).

The authoritative reference and input builder live on the scoring server;
editing this copy changes nothing except your own understanding.
"""

import jax, jax.numpy as jnp
import numpy as np

B = 16384
LOG_SCALE_MEAN = 2.5
LOG_SCALE_STD = 1.0

def setup_inputs(seed: int = 0) -> dict:
    key = jax.random.key(seed)
    k1, k2, k3, k4 = jax.random.split(key, 4)
    domain = jax.random.randint(k1, (B,), 0, 3, dtype=jnp.int64 if jax.config.jax_enable_x64 else jnp.int32).astype(jnp.int32)
    scale = jax.random.uniform(k2, (B,), dtype=jnp.float32) * 1000.0 + 1.0
    read_noise = jax.random.uniform(k3, (B,), dtype=jnp.float32) * 10.0
    background = jax.random.uniform(k4, (B,), dtype=jnp.float32) * 50.0
    return {"domain": domain, "scale": scale, "read_noise": read_noise, "background": background}

def reference(domain, scale, read_noise, background):
    # Faithful translation of DomainEncoder.encode_domain with conditioning_type='dapgd'
    batch_size = domain.shape[0]
    # scatter-overwrite one-hot: torch.zeros(B,3).scatter_(1, domain.unsqueeze(1), 1.0)
    domain_onehot = jnp.zeros((batch_size, 3), dtype=jnp.float32).at[jnp.arange(batch_size), domain].set(1.0)
    clamped_scale = jnp.maximum(scale, 1e-06)
    log_scale = jnp.log10(clamped_scale)
    log_scale_norm = (log_scale - LOG_SCALE_MEAN) / LOG_SCALE_STD
    rel_read_noise = read_noise / clamped_scale
    rel_background = background / clamped_scale
    condition = jnp.concatenate([
        domain_onehot,
        log_scale_norm[:, None],
        rel_read_noise[:, None],
        rel_background[:, None],
    ], axis=1)
    return condition

if False:  # reference __main__ guard neutralized (emitter)
    out = reference(**setup_inputs())
    print(out.shape, out.dtype)

if __name__ == "__main__":
    import jax
    _d = setup_inputs()
    print(jax.jit(kernel)(*tuple(_d.values())))

</pallas_src>

<mosaic_0001>
#map = affine_map<(d0, d1) -> (0)>
#map1 = affine_map<(d0, d1) -> (0, 0)>
module attributes {stable_mosaic.version = 14 : i64} {
  func.func @_sc_body(%arg0: i32, %arg1: i32, %arg2: memref<16384xi32, #tpu.memory_space<hbm>>, %arg3: memref<16384xf32, #tpu.memory_space<hbm>>, %arg4: memref<16384xf32, #tpu.memory_space<hbm>>, %arg5: memref<16384xf32, #tpu.memory_space<hbm>>, %arg6: memref<6x16384xf32, #tpu.memory_space<hbm>>, %arg7: memref<1024xi32, #tpu.memory_space<vmem>>, %arg8: memref<1024xf32, #tpu.memory_space<vmem>>, %arg9: memref<1024xf32, #tpu.memory_space<vmem>>, %arg10: memref<1024xf32, #tpu.memory_space<vmem>>, %arg11: memref<6x1024xf32, #tpu.memory_space<vmem>>, %arg12: memref<!tpu.dma_semaphore, #tpu.memory_space<semaphore_mem>>, %arg13: memref<!tpu.dma_semaphore, #tpu.memory_space<semaphore_mem>>) attributes {dimension_semantics = [#tpu.dimension_semantics<core_parallel>, #tpu.dimension_semantics<subcore_parallel>], iteration_bounds = array<i64: 1, 16>, scalar_prefetch = 0 : i64, scratch_operands = 7 : i64, tpu.core_type = #tpu.core_type<sc_vector_subcore>, window_params = [{transform_indices = #map}, {transform_indices = #map}, {transform_indices = #map}, {transform_indices = #map}, {transform_indices = #map1}]} {
    %mul3A = arith.constant 1 : i32
    %mul3A_0 = arith.muli %arg1, %mul3A : i32
    %add3A = arith.addi %mul3A_0, %arg0 : i32
    %mul3A_1 = arith.constant 1024 : i32
    %mul3A_2 = arith.muli %add3A, %mul3A_1 : i32
    %dma_start3A = tpu.memref_slice %arg2[%mul3A_2] : memref<16384xi32, #tpu.memory_space<hbm>> -> memref<1024xi32, #tpu.memory_space<hbm>>
    %dma_start3A_3 = tpu.memref_slice %arg2[%mul3A_2] : memref<16384xi32, #tpu.memory_space<hbm>> -> memref<1024xi32, #tpu.memory_space<hbm>>
    tpu.enqueue_dma source(%dma_start3A_3 : memref<1024xi32, #tpu.memory_space<hbm>>) target(%arg7 : memref<1024xi32, #tpu.memory_space<vmem>>) target_semaphore(%arg12 : memref<!tpu.dma_semaphore, #tpu.memory_space<semaphore_mem>>)
    %dma_start3A_4 = tpu.memref_slice %arg3[%mul3A_2] : memref<16384xf32, #tpu.memory_space<hbm>> -> memref<1024xf32, #tpu.memory_space<hbm>>
    %dma_start3A_5 = tpu.memref_slice %arg3[%mul3A_2] : memref<16384xf32, #tpu.memory_space<hbm>> -> memref<1024xf32, #tpu.memory_space<hbm>>
    tpu.enqueue_dma source(%dma_start3A_5 : memref<1024xf32, #tpu.memory_space<hbm>>) target(%arg8 : memref<1024xf32, #tpu.memory_space<vmem>>) target_semaphore(%arg12 : memref<!tpu.dma_semaphore, #tpu.memory_space<semaphore_mem>>)
    %dma_start3A_6 = tpu.memref_slice %arg4[%mul3A_2] : memref<16384xf32, #tpu.memory_space<hbm>> -> memref<1024xf32, #tpu.memory_space<hbm>>
    %dma_start3A_7 = tpu.memref_slice %arg4[%mul3A_2] : memref<16384xf32, #tpu.memory_space<hbm>> -> memref<1024xf32, #tpu.memory_space<hbm>>
    tpu.enqueue_dma source(%dma_start3A_7 : memref<1024xf32, #tpu.memory_space<hbm>>) target(%arg9 : memref<1024xf32, #tpu.memory_space<vmem>>) target_semaphore(%arg12 : memref<!tpu.dma_semaphore, #tpu.memory_space<semaphore_mem>>)
    %dma_start3A_8 = tpu.memref_slice %arg5[%mul3A_2] : memref<16384xf32, #tpu.memory_space<hbm>> -> memref<1024xf32, #tpu.memory_space<hbm>>
    %dma_start3A_9 = tpu.memref_slice %arg5[%mul3A_2] : memref<16384xf32, #tpu.memory_space<hbm>> -> memref<1024xf32, #tpu.memory_space<hbm>>
    tpu.enqueue_dma source(%dma_start3A_9 : memref<1024xf32, #tpu.memory_space<hbm>>) target(%arg10 : memref<1024xf32, #tpu.memory_space<vmem>>) target_semaphore(%arg12 : memref<!tpu.dma_semaphore, #tpu.memory_space<semaphore_mem>>)
    %dma_wait3A = tpu.memref_slice %arg2[%mul3A_2] : memref<16384xi32, #tpu.memory_space<hbm>> -> memref<1024xi32, #tpu.memory_space<hbm>>
    %dma_wait3A_10 = tpu.memref_slice %arg2[%mul3A_2] : memref<16384xi32, #tpu.memory_space<hbm>> -> memref<1024xi32, #tpu.memory_space<hbm>>
    tpu.wait_dma2 semaphore(%arg12 : memref<!tpu.dma_semaphore, #tpu.memory_space<semaphore_mem>>) src(%dma_wait3A_10 : memref<1024xi32, #tpu.memory_space<hbm>>) dst(%arg7 : memref<1024xi32, #tpu.memory_space<vmem>>)
    %dma_wait3A_11 = tpu.memref_slice %arg3[%mul3A_2] : memref<16384xf32, #tpu.memory_space<hbm>> -> memref<1024xf32, #tpu.memory_space<hbm>>
    %dma_wait3A_12 = tpu.memref_slice %arg3[%mul3A_2] : memref<16384xf32, #tpu.memory_space<hbm>> -> memref<1024xf32, #tpu.memory_space<hbm>>
    tpu.wait_dma2 semaphore(%arg12 : memref<!tpu.dma_semaphore, #tpu.memory_space<semaphore_mem>>) src(%dma_wait3A_12 : memref<1024xf32, #tpu.memory_space<hbm>>) dst(%arg8 : memref<1024xf32, #tpu.memory_space<vmem>>)
    %dma_wait3A_13 = tpu.memref_slice %arg4[%mul3A_2] : memref<16384xf32, #tpu.memory_space<hbm>> -> memref<1024xf32, #tpu.memory_space<hbm>>
    %dma_wait3A_14 = tpu.memref_slice %arg4[%mul3A_2] : memref<16384xf32, #tpu.memory_space<hbm>> -> memref<1024xf32, #tpu.memory_space<hbm>>
    tpu.wait_dma2 semaphore(%arg12 : memref<!tpu.dma_semaphore, #tpu.memory_space<semaphore_mem>>) src(%dma_wait3A_14 : memref<1024xf32, #tpu.memory_space<hbm>>) dst(%arg9 : memref<1024xf32, #tpu.memory_space<vmem>>)
    %dma_wait3A_15 = tpu.memref_slice %arg5[%mul3A_2] : memref<16384xf32, #tpu.memory_space<hbm>> -> memref<1024xf32, #tpu.memory_space<hbm>>
    %dma_wait3A_16 = tpu.memref_slice %arg5[%mul3A_2] : memref<16384xf32, #tpu.memory_space<hbm>> -> memref<1024xf32, #tpu.memory_space<hbm>>
    tpu.wait_dma2 semaphore(%arg12 : memref<!tpu.dma_semaphore, #tpu.memory_space<semaphore_mem>>) src(%dma_wait3A_16 : memref<1024xf32, #tpu.memory_space<hbm>>) dst(%arg10 : memref<1024xf32, #tpu.memory_space<vmem>>)
    %add3A_17 = arith.constant 0 : i32
    %add3A_18 = arith.addi %mul3A_2, %add3A_17 : i32
    %add3A_19 = arith.constant 512 : i32
    %add3A_20 = arith.addi %mul3A_2, %add3A_19 : i32
    %parallel_loop3A = arith.constant 0 : i32
    %parallel_loop3A_21 = arith.constant 512 : i32
    %parallel_loop3A_22 = arith.constant 16 : i32
    scf.for %parallel_loop3A_66 = %parallel_loop3A to %parallel_loop3A_21 step %parallel_loop3A_22  : i32 {
      %parallel_loop3A_67 = arith.index_cast %parallel_loop3A_66 : i32 to index
      %parallel_loop3A_68 = tpu.vector_load %arg7[%parallel_loop3A_67] {strides = array<i32>} : memref<1024xi32, #tpu.memory_space<vmem>>, vector<16xi32>,
      %parallel_loop3A_69 = arith.index_cast %parallel_loop3A_66 : i32 to index
      %parallel_loop3A_70 = tpu.vector_load %arg8[%parallel_loop3A_69] {strides = array<i32>} : memref<1024xf32, #tpu.memory_space<vmem>>, vector<16xf32>,
      %parallel_loop3A_71 = arith.constant 9.99999997E-7 : f32
      %parallel_loop3A_72 = vector.broadcast %parallel_loop3A_71 : f32 to vector<16xf32>
      %parallel_loop3A_73 = arith.maximumf %parallel_loop3A_70, %parallel_loop3A_72 : vector<16xf32>
      %parallel_loop3A_74 = arith.constant 1.000000e+00 : f32
      %parallel_loop3A_75 = vector.broadcast %parallel_loop3A_74 : f32 to vector<16xf32>
      %parallel_loop3A_76 = arith.divf %parallel_loop3A_75, %parallel_loop3A_73 : vector<16xf32>
      %parallel_loop3A_77 = arith.constant 0 : i32
      %parallel_loop3A_78 = vector.broadcast %parallel_loop3A_77 : i32 to vector<16xi32>
      %parallel_loop3A_79 = arith.cmpi eq, %parallel_loop3A_68, %parallel_loop3A_78 : vector<16xi32>
      %parallel_loop3A_80 = arith.constant 1.000000e+00 : f32
      %parallel_loop3A_81 = arith.constant 0.000000e+00 : f32
      %parallel_loop3A_82 = vector.broadcast %parallel_loop3A_80 : f32 to vector<16xf32>
      %parallel_loop3A_83 = vector.broadcast %parallel_loop3A_81 : f32 to vector<16xf32>
      %parallel_loop3A_84 = arith.select %parallel_loop3A_79, %parallel_loop3A_82, %parallel_loop3A_83 : vector<16xi1>, vector<16xf32>
      %parallel_loop3A_85 = arith.constant 1 : i32
      %parallel_loop3A_86 = vector.broadcast %parallel_loop3A_85 : i32 to vector<16xi32>
      %parallel_loop3A_87 = arith.cmpi eq, %parallel_loop3A_68, %parallel_loop3A_86 : vector<16xi32>
      %parallel_loop3A_88 = arith.constant 1.000000e+00 : f32
      %parallel_loop3A_89 = arith.constant 0.000000e+00 : f32
      %parallel_loop3A_90 = vector.broadcast %parallel_loop3A_88 : f32 to vector<16xf32>
      %parallel_loop3A_91 = vector.broadcast %parallel_loop3A_89 : f32 to vector<16xf32>
      %parallel_loop3A_92 = arith.select %parallel_loop3A_87, %parallel_loop3A_90, %parallel_loop3A_91 : vector<16xi1>, vector<16xf32>
      %parallel_loop3A_93 = arith.constant 2 : i32
      %parallel_loop3A_94 = vector.broadcast %parallel_loop3A_93 : i32 to vector<16xi32>
      %parallel_loop3A_95 = arith.cmpi eq, %parallel_loop3A_68, %parallel_loop3A_94 : vector<16xi32>
      %parallel_loop3A_96 = arith.constant 1.000000e+00 : f32
      %parallel_loop3A_97 = arith.constant 0.000000e+00 : f32
      %parallel_loop3A_98 = vector.broadcast %parallel_loop3A_96 : f32 to vector<16xf32>
      %parallel_loop3A_99 = vector.broadcast %parallel_loop3A_97 : f32 to vector<16xf32>
      %parallel_loop3A_100 = arith.select %parallel_loop3A_95, %parallel_loop3A_98, %parallel_loop3A_99 : vector<16xi1>, vector<16xf32>
      %parallel_loop3A_101 = tpu.bitcast %parallel_loop3A_73 : vector<16xf32> -> vector<16xi32>
      %parallel_loop3A_102 = arith.constant 23 : i32
      %parallel_loop3A_103 = vector.broadcast %parallel_loop3A_102 : i32 to vector<16xi32>
      %parallel_loop3A_104 = arith.shrsi %parallel_loop3A_101, %parallel_loop3A_103 : vector<16xi32>
      %parallel_loop3A_105 = arith.constant 127 : i32
      %parallel_loop3A_106 = vector.broadcast %parallel_loop3A_105 : i32 to vector<16xi32>
      %parallel_loop3A_107 = arith.subi %parallel_loop3A_104, %parallel_loop3A_106 : vector<16xi32>
      %parallel_loop3A_108 = arith.constant 8388607 : i32
      %parallel_loop3A_109 = vector.broadcast %parallel_loop3A_108 : i32 to vector<16xi32>
      %parallel_loop3A_110 = arith.andi %parallel_loop3A_101, %parallel_loop3A_109 : vector<16xi32>
      %parallel_loop3A_111 = arith.constant 1065353216 : i32
      %parallel_loop3A_112 = vector.broadcast %parallel_loop3A_111 : i32 to vector<16xi32>
      %parallel_loop3A_113 = arith.ori %parallel_loop3A_110, %parallel_loop3A_112 : vector<16xi32>
      %parallel_loop3A_114 = tpu.bitcast %parallel_loop3A_113 : vector<16xi32> -> vector<16xf32>
      %parallel_loop3A_115 = arith.constant 1.000000e+00 : f32
      %parallel_loop3A_116 = vector.broadcast %parallel_loop3A_115 : f32 to vector<16xf32>
      %parallel_loop3A_117 = arith.subf %parallel_loop3A_114, %parallel_loop3A_116 : vector<16xf32>
      %parallel_loop3A_118 = arith.constant 0.0129457824 : f32
      %parallel_loop3A_119 = vector.broadcast %parallel_loop3A_118 : f32 to vector<16xf32>
      %parallel_loop3A_120 = arith.mulf %parallel_loop3A_117, %parallel_loop3A_119 : vector<16xf32>
      %parallel_loop3A_121 = arith.constant -0.056439694 : f32
      %parallel_loop3A_122 = vector.broadcast %parallel_loop3A_121 : f32 to vector<16xf32>
      %parallel_loop3A_123 = arith.addf %parallel_loop3A_122, %parallel_loop3A_120 : vector<16xf32>
      %parallel_loop3A_124 = arith.mulf %parallel_loop3A_117, %parallel_loop3A_123 : vector<16xf32>
      %parallel_loop3A_125 = arith.constant 0.123262845 : f32
      %parallel_loop3A_126 = vector.broadcast %parallel_loop3A_125 : f32 to vector<16xf32>
      %parallel_loop3A_127 = arith.addf %parallel_loop3A_126, %parallel_loop3A_124 : vector<16xf32>
      %parallel_loop3A_128 = arith.mulf %parallel_loop3A_117, %parallel_loop3A_127 : vector<16xf32>
      %parallel_loop3A_129 = arith.constant -0.212673619 : f32
      %parallel_loop3A_130 = vector.broadcast %parallel_loop3A_129 : f32 to vector<16xf32>
      %parallel_loop3A_131 = arith.addf %parallel_loop3A_130, %parallel_loop3A_128 : vector<16xf32>
      %parallel_loop3A_132 = arith.mulf %parallel_loop3A_117, %parallel_loop3A_131 : vector<16xf32>
      %parallel_loop3A_133 = arith.constant 0.433932453 : f32
      %parallel_loop3A_134 = vector.broadcast %parallel_loop3A_133 : f32 to vector<16xf32>
      %parallel_loop3A_135 = arith.addf %parallel_loop3A_134, %parallel_loop3A_132 : vector<16xf32>
      %parallel_loop3A_136 = arith.mulf %parallel_loop3A_117, %parallel_loop3A_135 : vector<16xf32>
      %parallel_loop3A_137 = arith.constant -2.49999499 : f32
      %parallel_loop3A_138 = vector.broadcast %parallel_loop3A_137 : f32 to vector<16xf32>
      %parallel_loop3A_139 = arith.addf %parallel_loop3A_138, %parallel_loop3A_136 : vector<16xf32>
      %parallel_loop3A_140 = arith.sitofp %parallel_loop3A_107 : vector<16xi32> to vector<16xf32>
      %parallel_loop3A_141 = arith.constant 3.010300e-01 : f32
      %parallel_loop3A_142 = vector.broadcast %parallel_loop3A_141 : f32 to vector<16xf32>
      %parallel_loop3A_143 = arith.mulf %parallel_loop3A_140, %parallel_loop3A_142 : vector<16xf32>
      %parallel_loop3A_144 = arith.addf %parallel_loop3A_143, %parallel_loop3A_139 : vector<16xf32>
      %parallel_loop3A_145 = arith.index_cast %parallel_loop3A_66 : i32 to index
      %parallel_loop3A_146 = tpu.vector_load %arg9[%parallel_loop3A_145] {strides = array<i32>} : memref<1024xf32, #tpu.memory_space<vmem>>, vector<16xf32>,
      %parallel_loop3A_147 = arith.mulf %parallel_loop3A_146, %parallel_loop3A_76 : vector<16xf32>
      %parallel_loop3A_148 = arith.index_cast %parallel_loop3A_66 : i32 to index
      %parallel_loop3A_149 = tpu.vector_load %arg10[%parallel_loop3A_148] {strides = array<i32>} : memref<1024xf32, #tpu.memory_space<vmem>>, vector<16xf32>,
      %parallel_loop3A_150 = arith.mulf %parallel_loop3A_149, %parallel_loop3A_76 : vector<16xf32>
      %parallel_loop3A_151 = arith.constant 0 : i32
      %parallel_loop3A_152 = arith.index_cast %parallel_loop3A_151 : i32 to index
      %parallel_loop3A_153 = arith.index_cast %parallel_loop3A_66 : i32 to index
      %parallel_loop3A_154 = tpu.vector_load %arg11[%parallel_loop3A_152, %parallel_loop3A_153] {strides = array<i32>} : memref<6x1024xf32, #tpu.memory_space<vmem>>, vector<16xf32>,
      tpu.vector_store %arg11[%parallel_loop3A_152, %parallel_loop3A_153], %parallel_loop3A_84 {strides = array<i32>} : memref<6x1024xf32, #tpu.memory_space<vmem>>, vector<16xf32>,
      %parallel_loop3A_155 = arith.constant 1 : i32
      %parallel_loop3A_156 = arith.index_cast %parallel_loop3A_155 : i32 to index
      %parallel_loop3A_157 = arith.index_cast %parallel_loop3A_66 : i32 to index
      %parallel_loop3A_158 = tpu.vector_load %arg11[%parallel_loop3A_156, %parallel_loop3A_157] {strides = array<i32>} : memref<6x1024xf32, #tpu.memory_space<vmem>>, vector<16xf32>,
      tpu.vector_store %arg11[%parallel_loop3A_156, %parallel_loop3A_157], %parallel_loop3A_92 {strides = array<i32>} : memref<6x1024xf32, #tpu.memory_space<vmem>>, vector<16xf32>,
      %parallel_loop3A_159 = arith.constant 2 : i32
      %parallel_loop3A_160 = arith.index_cast %parallel_loop3A_159 : i32 to index
      %parallel_loop3A_161 = arith.index_cast %parallel_loop3A_66 : i32 to index
      %parallel_loop3A_162 = tpu.vector_load %arg11[%parallel_loop3A_160, %parallel_loop3A_161] {strides = array<i32>} : memref<6x1024xf32, #tpu.memory_space<vmem>>, vector<16xf32>,
      tpu.vector_store %arg11[%parallel_loop3A_160, %parallel_loop3A_161], %parallel_loop3A_100 {strides = array<i32>} : memref<6x1024xf32, #tpu.memory_space<vmem>>, vector<16xf32>,
      %parallel_loop3A_163 = arith.constant 3 : i32
      %parallel_loop3A_164 = arith.index_cast %parallel_loop3A_163 : i32 to index
      %parallel_loop3A_165 = arith.index_cast %parallel_loop3A_66 : i32 to index
      %parallel_loop3A_166 = tpu.vector_load %arg11[%parallel_loop3A_164, %parallel_loop3A_165] {strides = array<i32>} : memref<6x1024xf32, #tpu.memory_space<vmem>>, vector<16xf32>,
      tpu.vector_store %arg11[%parallel_loop3A_164, %parallel_loop3A_165], %parallel_loop3A_144 {strides = array<i32>} : memref<6x1024xf32, #tpu.memory_space<vmem>>, vector<16xf32>,
      %parallel_loop3A_167 = arith.constant 4 : i32
      %parallel_loop3A_168 = arith.index_cast %parallel_loop3A_167 : i32 to index
      %parallel_loop3A_169 = arith.index_cast %parallel_loop3A_66 : i32 to index
      %parallel_loop3A_170 = tpu.vector_load %arg11[%parallel_loop3A_168, %parallel_loop3A_169] {strides = array<i32>} : memref<6x1024xf32, #tpu.memory_space<vmem>>, vector<16xf32>,
      tpu.vector_store %arg11[%parallel_loop3A_168, %parallel_loop3A_169], %parallel_loop3A_147 {strides = array<i32>} : memref<6x1024xf32, #tpu.memory_space<vmem>>, vector<16xf32>,
      %parallel_loop3A_171 = arith.constant 5 : i32
      %parallel_loop3A_172 = arith.index_cast %parallel_loop3A_171 : i32 to index
      %parallel_loop3A_173 = arith.index_cast %parallel_loop3A_66 : i32 to index
      %parallel_loop3A_174 = tpu.vector_load %arg11[%parallel_loop3A_172, %parallel_loop3A_173] {strides = array<i32>} : memref<6x1024xf32, #tpu.memory_space<vmem>>, vector<16xf32>,
      tpu.vector_store %arg11[%parallel_loop3A_172, %parallel_loop3A_173], %parallel_loop3A_150 {strides = array<i32>} : memref<6x1024xf32, #tpu.memory_space<vmem>>, vector<16xf32>,
    } {sc.loop_unroll_factor = 2 : i64, sc.parallel_access}
    %dma_start3A_23 = arith.constant 0 : i32
    %dma_start3A_24 = arith.constant 0 : i32
    %dma_start3A_25 = tpu.memref_slice %arg11[%dma_start3A_23, %dma_start3A_24] : memref<6x1024xf32, #tpu.memory_space<vmem>> -> memref<6x512xf32, #tpu.memory_space<vmem>>
    %dma_start3A_26 = arith.constant 0 : i32
    %dma_start3A_27 = tpu.memref_slice %arg6[%dma_start3A_26, %add3A_18] : memref<6x16384xf32, #tpu.memory_space<hbm>> -> memref<6x512xf32, #tpu.memory_space<hbm>>
    %dma_start3A_28 = arith.constant 0 : i32
    %dma_start3A_29 = tpu.memref_slice %arg6[%dma_start3A_28, %add3A_18] : memref<6x16384xf32, #tpu.memory_space<hbm>> -> memref<6x512xf32, #tpu.memory_space<hbm>>
    %dma_start3A_30 = arith.constant 0 : i32
    %dma_start3A_31 = arith.constant 0 : i32
    %dma_start3A_32 = tpu.memref_slice %arg11[%dma_start3A_30, %dma_start3A_31] : memref<6x1024xf32, #tpu.memory_space<vmem>> -> memref<6x512xf32, #tpu.memory_space<vmem>>
    tpu.enqueue_dma source(%dma_start3A_32 : memref<6x512xf32, #tpu.memory_space<vmem>>) target(%dma_start3A_29 : memref<6x512xf32, #tpu.memory_space<hbm>>) target_semaphore(%arg13 : memref<!tpu.dma_semaphore, #tpu.memory_space<semaphore_mem>>)
    %parallel_loop3A_33 = arith.constant 512 : i32
    %parallel_loop3A_34 = arith.constant 1024 : i32
    %parallel_loop3A_35 = arith.constant 16 : i32
    scf.for %parallel_loop3A_66 = %parallel_loop3A_33 to %parallel_loop3A_34 step %parallel_loop3A_35  : i32 {
      %parallel_loop3A_67 = arith.index_cast %parallel_loop3A_66 : i32 to index
      %parallel_loop3A_68 = tpu.vector_load %arg7[%parallel_loop3A_67] {strides = array<i32>} : memref<1024xi32, #tpu.memory_space<vmem>>, vector<16xi32>,
      %parallel_loop3A_69 = arith.index_cast %parallel_loop3A_66 : i32 to index
      %parallel_loop3A_70 = tpu.vector_load %arg8[%parallel_loop3A_69] {strides = array<i32>} : memref<1024xf32, #tpu.memory_space<vmem>>, vector<16xf32>,
      %parallel_loop3A_71 = arith.constant 9.99999997E-7 : f32
      %parallel_loop3A_72 = vector.broadcast %parallel_loop3A_71 : f32 to vector<16xf32>
      %parallel_loop3A_73 = arith.maximumf %parallel_loop3A_70, %parallel_loop3A_72 : vector<16xf32>
      %parallel_loop3A_74 = arith.constant 1.000000e+00 : f32
      %parallel_loop3A_75 = vector.broadcast %parallel_loop3A_74 : f32 to vector<16xf32>
      %parallel_loop3A_76 = arith.divf %parallel_loop3A_75, %parallel_loop3A_73 : vector<16xf32>
      %parallel_loop3A_77 = arith.constant 0 : i32
      %parallel_loop3A_78 = vector.broadcast %parallel_loop3A_77 : i32 to vector<16xi32>
      %parallel_loop3A_79 = arith.cmpi eq, %parallel_loop3A_68, %parallel_loop3A_78 : vector<16xi32>
      %parallel_loop3A_80 = arith.constant 1.000000e+00 : f32
      %parallel_loop3A_81 = arith.constant 0.000000e+00 : f32
      %parallel_loop3A_82 = vector.broadcast %parallel_loop3A_80 : f32 to vector<16xf32>
      %parallel_loop3A_83 = vector.broadcast %parallel_loop3A_81 : f32 to vector<16xf32>
      %parallel_loop3A_84 = arith.select %parallel_loop3A_79, %parallel_loop3A_82, %parallel_loop3A_83 : vector<16xi1>, vector<16xf32>
      %parallel_loop3A_85 = arith.constant 1 : i32
      %parallel_loop3A_86 = vector.broadcast %parallel_loop3A_85 : i32 to vector<16xi32>
      %parallel_loop3A_87 = arith.cmpi eq, %parallel_loop3A_68, %parallel_loop3A_86 : vector<16xi32>
      %parallel_loop3A_88 = arith.constant 1.000000e+00 : f32
      %parallel_loop3A_89 = arith.constant 0.000000e+00 : f32
      %parallel_loop3A_90 = vector.broadcast %parallel_loop3A_88 : f32 to vector<16xf32>
      %parallel_loop3A_91 = vector.broadcast %parallel_loop3A_89 : f32 to vector<16xf32>
      %parallel_loop3A_92 = arith.select %parallel_loop3A_87, %parallel_loop3A_90, %parallel_loop3A_91 : vector<16xi1>, vector<16xf32>
      %parallel_loop3A_93 = arith.constant 2 : i32
      %parallel_loop3A_94 = vector.broadcast %parallel_loop3A_93 : i32 to vector<16xi32>
      %parallel_loop3A_95 = arith.cmpi eq, %parallel_loop3A_68, %parallel_loop3A_94 : vector<16xi32>
      %parallel_loop3A_96 = arith.constant 1.000000e+00 : f32
      %parallel_loop3A_97 = arith.constant 0.000000e+00 : f32
      %parallel_loop3A_98 = vector.broadcast %parallel_loop3A_96 : f32 to vector<16xf32>
      %parallel_loop3A_99 = vector.broadcast %parallel_loop3A_97 : f32 to vector<16xf32>
      %parallel_loop3A_100 = arith.select %parallel_loop3A_95, %parallel_loop3A_98, %parallel_loop3A_99 : vector<16xi1>, vector<16xf32>
      %parallel_loop3A_101 = tpu.bitcast %parallel_loop3A_73 : vector<16xf32> -> vector<16xi32>
      %parallel_loop3A_102 = arith.constant 23 : i32
      %parallel_loop3A_103 = vector.broadcast %parallel_loop3A_102 : i32 to vector<16xi32>
      %parallel_loop3A_104 = arith.shrsi %parallel_loop3A_101, %parallel_loop3A_103 : vector<16xi32>
      %parallel_loop3A_105 = arith.constant 127 : i32
      %parallel_loop3A_106 = vector.broadcast %parallel_loop3A_105 : i32 to vector<16xi32>
      %parallel_loop3A_107 = arith.subi %parallel_loop3A_104, %parallel_loop3A_106 : vector<16xi32>
      %parallel_loop3A_108 = arith.constant 8388607 : i32
      %parallel_loop3A_109 = vector.broadcast %parallel_loop3A_108 : i32 to vector<16xi32>
      %parallel_loop3A_110 = arith.andi %parallel_loop3A_101, %parallel_loop3A_109 : vector<16xi32>
      %parallel_loop3A_111 = arith.constant 1065353216 : i32
      %parallel_loop3A_112 = vector.broadcast %parallel_loop3A_111 : i32 to vector<16xi32>
      %parallel_loop3A_113 = arith.ori %parallel_loop3A_110, %parallel_loop3A_112 : vector<16xi32>
      %parallel_loop3A_114 = tpu.bitcast %parallel_loop3A_113 : vector<16xi32> -> vector<16xf32>
      %parallel_loop3A_115 = arith.constant 1.000000e+00 : f32
      %parallel_loop3A_116 = vector.broadcast %parallel_loop3A_115 : f32 to vector<16xf32>
      %parallel_loop3A_117 = arith.subf %parallel_loop3A_114, %parallel_loop3A_116 : vector<16xf32>
      %parallel_loop3A_118 = arith.constant 0.0129457824 : f32
      %parallel_loop3A_119 = vector.broadcast %parallel_loop3A_118 : f32 to vector<16xf32>
      %parallel_loop3A_120 = arith.mulf %parallel_loop3A_117, %parallel_loop3A_119 : vector<16xf32>
      %parallel_loop3A_121 = arith.constant -0.056439694 : f32
      %parallel_loop3A_122 = vector.broadcast %parallel_loop3A_121 : f32 to vector<16xf32>
      %parallel_loop3A_123 = arith.addf %parallel_loop3A_122, %parallel_loop3A_120 : vector<16xf32>
      %parallel_loop3A_124 = arith.mulf %parallel_loop3A_117, %parallel_loop3A_123 : vector<16xf32>
      %parallel_loop3A_125 = arith.constant 0.123262845 : f32
      %parallel_loop3A_126 = vector.broadcast %parallel_loop3A_125 : f32 to vector<16xf32>
      %parallel_loop3A_127 = arith.addf %parallel_loop3A_126, %parallel_loop3A_124 : vector<16xf32>
      %parallel_loop3A_128 = arith.mulf %parallel_loop3A_117, %parallel_loop3A_127 : vector<16xf32>
      %parallel_loop3A_129 = arith.constant -0.212673619 : f32
      %parallel_loop3A_130 = vector.broadcast %parallel_loop3A_129 : f32 to vector<16xf32>
      %parallel_loop3A_131 = arith.addf %parallel_loop3A_130, %parallel_loop3A_128 : vector<16xf32>
      %parallel_loop3A_132 = arith.mulf %parallel_loop3A_117, %parallel_loop3A_131 : vector<16xf32>
      %parallel_loop3A_133 = arith.constant 0.433932453 : f32
      %parallel_loop3A_134 = vector.broadcast %parallel_loop3A_133 : f32 to vector<16xf32>
      %parallel_loop3A_135 = arith.addf %parallel_loop3A_134, %parallel_loop3A_132 : vector<16xf32>
      %parallel_loop3A_136 = arith.mulf %parallel_loop3A_117, %parallel_loop3A_135 : vector<16xf32>
      %parallel_loop3A_137 = arith.constant -2.49999499 : f32
      %parallel_loop3A_138 = vector.broadcast %parallel_loop3A_137 : f32 to vector<16xf32>
      %parallel_loop3A_139 = arith.addf %parallel_loop3A_138, %parallel_loop3A_136 : vector<16xf32>
      %parallel_loop3A_140 = arith.sitofp %parallel_loop3A_107 : vector<16xi32> to vector<16xf32>
      %parallel_loop3A_141 = arith.constant 3.010300e-01 : f32
      %parallel_loop3A_142 = vector.broadcast %parallel_loop3A_141 : f32 to vector<16xf32>
      %parallel_loop3A_143 = arith.mulf %parallel_loop3A_140, %parallel_loop3A_142 : vector<16xf32>
      %parallel_loop3A_144 = arith.addf %parallel_loop3A_143, %parallel_loop3A_139 : vector<16xf32>
      %parallel_loop3A_145 = arith.index_cast %parallel_loop3A_66 : i32 to index
      %parallel_loop3A_146 = tpu.vector_load %arg9[%parallel_loop3A_145] {strides = array<i32>} : memref<1024xf32, #tpu.memory_space<vmem>>, vector<16xf32>,
      %parallel_loop3A_147 = arith.mulf %parallel_loop3A_146, %parallel_loop3A_76 : vector<16xf32>
      %parallel_loop3A_148 = arith.index_cast %parallel_loop3A_66 : i32 to index
      %parallel_loop3A_149 = tpu.vector_load %arg10[%parallel_loop3A_148] {strides = array<i32>} : memref<1024xf32, #tpu.memory_space<vmem>>, vector<16xf32>,
      %parallel_loop3A_150 = arith.mulf %parallel_loop3A_149, %parallel_loop3A_76 : vector<16xf32>
      %parallel_loop3A_151 = arith.constant 0 : i32
      %parallel_loop3A_152 = arith.index_cast %parallel_loop3A_151 : i32 to index
      %parallel_loop3A_153 = arith.index_cast %parallel_loop3A_66 : i32 to index
      %parallel_loop3A_154 = tpu.vector_load %arg11[%parallel_loop3A_152, %parallel_loop3A_153] {strides = array<i32>} : memref<6x1024xf32, #tpu.memory_space<vmem>>, vector<16xf32>,
      tpu.vector_store %arg11[%parallel_loop3A_152, %parallel_loop3A_153], %parallel_loop3A_84 {strides = array<i32>} : memref<6x1024xf32, #tpu.memory_space<vmem>>, vector<16xf32>,
      %parallel_loop3A_155 = arith.constant 1 : i32
      %parallel_loop3A_156 = arith.index_cast %parallel_loop3A_155 : i32 to index
      %parallel_loop3A_157 = arith.index_cast %parallel_loop3A_66 : i32 to index
      %parallel_loop3A_158 = tpu.vector_load %arg11[%parallel_loop3A_156, %parallel_loop3A_157] {strides = array<i32>} : memref<6x1024xf32, #tpu.memory_space<vmem>>, vector<16xf32>,
      tpu.vector_store %arg11[%parallel_loop3A_156, %parallel_loop3A_157], %parallel_loop3A_92 {strides = array<i32>} : memref<6x1024xf32, #tpu.memory_space<vmem>>, vector<16xf32>,
      %parallel_loop3A_159 = arith.constant 2 : i32
      %parallel_loop3A_160 = arith.index_cast %parallel_loop3A_159 : i32 to index
      %parallel_loop3A_161 = arith.index_cast %parallel_loop3A_66 : i32 to index
      %parallel_loop3A_162 = tpu.vector_load %arg11[%parallel_loop3A_160, %parallel_loop3A_161] {strides = array<i32>} : memref<6x1024xf32, #tpu.memory_space<vmem>>, vector<16xf32>,
      tpu.vector_store %arg11[%parallel_loop3A_160, %parallel_loop3A_161], %parallel_loop3A_100 {strides = array<i32>} : memref<6x1024xf32, #tpu.memory_space<vmem>>, vector<16xf32>,
      %parallel_loop3A_163 = arith.constant 3 : i32
      %parallel_loop3A_164 = arith.index_cast %parallel_loop3A_163 : i32 to index
      %parallel_loop3A_165 = arith.index_cast %parallel_loop3A_66 : i32 to index
      %parallel_loop3A_166 = tpu.vector_load %arg11[%parallel_loop3A_164, %parallel_loop3A_165] {strides = array<i32>} : memref<6x1024xf32, #tpu.memory_space<vmem>>, vector<16xf32>,
      tpu.vector_store %arg11[%parallel_loop3A_164, %parallel_loop3A_165], %parallel_loop3A_144 {strides = array<i32>} : memref<6x1024xf32, #tpu.memory_space<vmem>>, vector<16xf32>,
      %parallel_loop3A_167 = arith.constant 4 : i32
      %parallel_loop3A_168 = arith.index_cast %parallel_loop3A_167 : i32 to index
      %parallel_loop3A_169 = arith.index_cast %parallel_loop3A_66 : i32 to index
      %parallel_loop3A_170 = tpu.vector_load %arg11[%parallel_loop3A_168, %parallel_loop3A_169] {strides = array<i32>} : memref<6x1024xf32, #tpu.memory_space<vmem>>, vector<16xf32>,
      tpu.vector_store %arg11[%parallel_loop3A_168, %parallel_loop3A_169], %parallel_loop3A_147 {strides = array<i32>} : memref<6x1024xf32, #tpu.memory_space<vmem>>, vector<16xf32>,
      %parallel_loop3A_171 = arith.constant 5 : i32
      %parallel_loop3A_172 = arith.index_cast %parallel_loop3A_171 : i32 to index
      %parallel_loop3A_173 = arith.index_cast %parallel_loop3A_66 : i32 to index
      %parallel_loop3A_174 = tpu.vector_load %arg11[%parallel_loop3A_172, %parallel_loop3A_173] {strides = array<i32>} : memref<6x1024xf32, #tpu.memory_space<vmem>>, vector<16xf32>,
      tpu.vector_store %arg11[%parallel_loop3A_172, %parallel_loop3A_173], %parallel_loop3A_150 {strides = array<i32>} : memref<6x1024xf32, #tpu.memory_space<vmem>>, vector<16xf32>,
    } {sc.loop_unroll_factor = 2 : i64, sc.parallel_access}
    %dma_start3A_36 = arith.constant 0 : i32
    %dma_start3A_37 = arith.constant 512 : i32
    %dma_start3A_38 = tpu.memref_slice %arg11[%dma_start3A_36, %dma_start3A_37] : memref<6x1024xf32, #tpu.memory_space<vmem>> -> memref<6x512xf32, #tpu.memory_space<vmem>>
    %dma_start3A_39 = arith.constant 0 : i32
    %dma_start3A_40 = tpu.memref_slice %arg6[%dma_start3A_39, %add3A_20] : memref<6x16384xf32, #tpu.memory_space<hbm>> -> memref<6x512xf32, #tpu.memory_space<hbm>>
    %dma_start3A_41 = arith.constant 0 : i32
    %dma_start3A_42 = tpu.memref_slice %arg6[%dma_start3A_41, %add3A_20] : memref<6x16384xf32, #tpu.memory_space<hbm>> -> memref<6x512xf32, #tpu.memory_space<hbm>>
    %dma_start3A_43 = arith.constant 0 : i32
    %dma_start3A_44 = arith.constant 512 : i32
    %dma_start3A_45 = tpu.memref_slice %arg11[%dma_start3A_43, %dma_start3A_44] : memref<6x1024xf32, #tpu.memory_space<vmem>> -> memref<6x512xf32, #tpu.memory_space<vmem>>
    tpu.enqueue_dma source(%dma_start3A_45 : memref<6x512xf32, #tpu.memory_space<vmem>>) target(%dma_start3A_42 : memref<6x512xf32, #tpu.memory_space<hbm>>) target_semaphore(%arg13 : memref<!tpu.dma_semaphore, #tpu.memory_space<semaphore_mem>>)
    %dma_wait3A_46 = arith.constant 0 : i32
    %dma_wait3A_47 = arith.constant 0 : i32
    %dma_wait3A_48 = tpu.memref_slice %arg11[%dma_wait3A_46, %dma_wait3A_47] : memref<6x1024xf32, #tpu.memory_space<vmem>> -> memref<6x512xf32, #tpu.memory_space<vmem>>
    %dma_wait3A_49 = arith.constant 0 : i32
    %dma_wait3A_50 = tpu.memref_slice %arg6[%dma_wait3A_49, %add3A_18] : memref<6x16384xf32, #tpu.memory_space<hbm>> -> memref<6x512xf32, #tpu.memory_space<hbm>>
    %dma_wait3A_51 = arith.constant 0 : i32
    %dma_wait3A_52 = tpu.memref_slice %arg6[%dma_wait3A_51, %add3A_18] : memref<6x16384xf32, #tpu.memory_space<hbm>> -> memref<6x512xf32, #tpu.memory_space<hbm>>
    %dma_wait3A_53 = arith.constant 0 : i32
    %dma_wait3A_54 = arith.constant 0 : i32
    %dma_wait3A_55 = tpu.memref_slice %arg11[%dma_wait3A_53, %dma_wait3A_54] : memref<6x1024xf32, #tpu.memory_space<vmem>> -> memref<6x512xf32, #tpu.memory_space<vmem>>
    tpu.wait_dma2 semaphore(%arg13 : memref<!tpu.dma_semaphore, #tpu.memory_space<semaphore_mem>>) src(%dma_wait3A_55 : memref<6x512xf32, #tpu.memory_space<vmem>>) dst(%dma_wait3A_52 : memref<6x512xf32, #tpu.memory_space<hbm>>)
    %dma_wait3A_56 = arith.constant 0 : i32
    %dma_wait3A_57 = arith.constant 512 : i32
    %dma_wait3A_58 = tpu.memref_slice %arg11[%dma_wait3A_56, %dma_wait3A_57] : memref<6x1024xf32, #tpu.memory_space<vmem>> -> memref<6x512xf32, #tpu.memory_space<vmem>>
    %dma_wait3A_59 = arith.constant 0 : i32
    %dma_wait3A_60 = tpu.memref_slice %arg6[%dma_wait3A_59, %add3A_20] : memref<6x16384xf32, #tpu.memory_space<hbm>> -> memref<6x512xf32, #tpu.memory_space<hbm>>
    %dma_wait3A_61 = arith.constant 0 : i32
    %dma_wait3A_62 = tpu.memref_slice %arg6[%dma_wait3A_61, %add3A_20] : memref<6x16384xf32, #tpu.memory_space<hbm>> -> memref<6x512xf32, #tpu.memory_space<hbm>>
    %dma_wait3A_63 = arith.constant 0 : i32
    %dma_wait3A_64 = arith.constant 512 : i32
    %dma_wait3A_65 = tpu.memref_slice %arg11[%dma_wait3A_63, %dma_wait3A_64] : memref<6x1024xf32, #tpu.memory_space<vmem>> -> memref<6x512xf32, #tpu.memory_space<vmem>>
    tpu.wait_dma2 semaphore(%arg13 : memref<!tpu.dma_semaphore, #tpu.memory_space<semaphore_mem>>) src(%dma_wait3A_65 : memref<6x512xf32, #tpu.memory_space<vmem>>) dst(%dma_wait3A_62 : memref<6x512xf32, #tpu.memory_space<hbm>>)
    return
  }
}

</mosaic_0001>

<sc_bundles>
// kernel: kernel.3.cloned.1.call-start
scs
__scs_entry_jumppad:
0x0: {  	(pc) =	sbr.rel $0x88, $3  }
0x1: {  	(tag) =	ssettag $0x0;
	lr =	simm.s32 $0x1  }
0x2: {  	[smem:$0x3F9D] =	sst lr;
	_ =	strace $0xD0000000  }
0x3: {  	_ = 	snop  }
0x4: {  	_ = 	snop  }
0x5: {  	_ = 	snop  }
0x6: {  	_ = 	snop  }
0x7: {  	_ = 	snop  }
__scs_overlays_trampoline_lowered:
0x8: {  	[smem:$0x3FAC] =	sst s0  }
0x9: {  	[smem:$0x3FAD] =	sst s1  }
0xa: {  	[smem:$0x3FAE] =	sst s2  }
0xb: {  	[smem:$0x3FAF] =	sst s3  }
0xc: {  	[smem:$0x3FB0] =	sst s4  }
0xd: {  	[smem:$0x3FB1] =	sst s5  }
0xe: {  	[smem:$0x3FB2] =	sst s6  }
0xf: {  	[smem:$0x3FB3] =	sst s7  }
0x10: {  	[smem:$0x3FB4] =	sst s8  }
0x11: {  	[smem:$0x3FB5] =	sst s9;
	s0 =	simm.s32 @!p0 $0x0  }
0x12: {  	s1 =	sld [smem:$0x3F9B];
	s0 =	simm.s32 @p0 $0x1  }
0x13: {  	[smem:$0x3FB6] =	sst s0;
	s0 =	simm.s32 @!p1 $0x0  }
0x14: {  	s2 =	sld [smem:$0x3F9A];
	s0 =	simm.s32 @p1 $0x1  }
0x15: {  	[smem:$0x3FB7] =	sst s0;
	s0 =	simm.s32 @!p2 $0x0  }
0x16: {  	s3 =	sld [smem:$0x3FDB];
	s0 =	simm.s32 @p2 $0x1  }
0x17: {  	s4 =	simm.s32 $0x1BF5;
	[smem:$0x3FB9] =	sst s0  }
0x18: {  	s0 =	sld [smem:$0x3F9C];
	_ =	swait.ge [sflag:s4], $0x0  }
0x19: {  	s7 =	sld [smem:$0x3F9D]  }
0x1a: {  	s8 =	sadd.s32 $0xFFFFE003, lr  }
0x1b: {  	s9 =	sadd.s32 $0xFFFFFEF7, lr;
	s5 =	simm.s32 $0xFFFFFFFF;
	p2 =	slt.u32 s8, $0xFFFFF086  }
0x1c: {  	p1 =	slt.u32 s9, $0xF7A;
	s5 =	simm.s32 @!p2 $0x0  }
0x1d: {  	s5 =	simm.s32 @p1 $0x1;
	p0 =	seq.s32 s7, s2  }
0x1e: {  	s7 =	smul.u32 @!p0 $0xF7A, s2;
	p2 =	seq.s32 @!p0 s5, $0x0  }
0x1f: {  	s9 =	smul.u32 $0xF7A, s1;
	s8 =	simm.s32 @!p0 $0x1BF5;
	p2 =	por !p2, p0  }
0x20: {  	[sflag:s8] =	ssyncset.s32 @!p0 $0xFFFFF086;
	s6 =	sadd.s32 @!p0 s3, s7;
	s7 =	simm.s32 @!p0 $0x108  }
0x21: {  	s3 =	sadd.s32 s3, s9;
	s6 =	sadd.s32 @!p0 $0x88, s6;
	s7 =	simm.s32 @p2 $0x1082  }
0x22: {  	[simem:s7], [sflag:s8] =	dma.local @!p0 [hbm:s6], $0xF7A  }
0x23: {  	s9 =	sor.u32 $0xD0000000, s2;
	s6 =	simm.s32 $0x108;
	_ =	swait.ge @!p0 [sflag:s8], $0x0  }
0x24: {  	s3 =	sadd.s32 $0x88, s3;
	s6 =	simm.s32 @!p1 $0x1082;
	[sflag:s4] =	ssyncset.s32 $0xFFFFF086  }
0x25: {  	[simem:s6], [sflag:s4] =	dma.local [hbm:s3], $0xF7A  }
0x26: {  	[smem:$0x3F9D] =	sst s1;
	(tag) =	ssettag s2;
	_ =	strace s9  }
0x27: {  	s1 =	sld [smem:$0x3FAD]  }
0x28: {  	s2 =	sld [smem:$0x3FAE]  }
0x29: {  	s4 =	sld [smem:$0x3FB0]  }
0x2a: {  	p0 =	seq.s32 s5, $0x0;
	s5 =	sld [smem:$0x3FB1]  }
0x2b: {  	s6 =	sld [smem:$0x3FB2]  }
0x2c: {  	s7 =	sld [smem:$0x3FB3]  }
0x2d: {  	s3 =	simm.s32 $0x108;
	s8 =	sld [smem:$0x3FB4]  }
0x2e: {  	s3 =	simm.s32 @!p0 $0x1082;
	s9 =	sld [smem:$0x3FB5]  }
0x2f: {  	lr =	sadd.s32 s0, s3;
	s0 =	sld [smem:$0x3FAC]  }
0x30: {  	s3 =	sld [smem:$0x3FAF]  }
0x31: {  	[smem:$0x3FB8] =	sst s10  }
0x32: {  	s10 =	sld [smem:$0x3FB6];
	_ =	sdelay $0x3  }
0x33: {  	p0 =	seq.s32 s10, $0x1;
	s10 =	sld [smem:$0x3FB8];
	_ =	sdelay $0x3  }
0x34: {  	[smem:$0x3FB8] =	sst s10  }
0x35: {  	s10 =	sld [smem:$0x3FB7];
	_ =	sdelay $0x3  }
0x36: {  	p1 =	seq.s32 s10, $0x1;
	s10 =	sld [smem:$0x3FB8];
	_ =	sdelay $0x3  }
0x37: {  	[smem:$0x3FB8] =	sst s10  }
0x38: {  	s10 =	sld [smem:$0x3FB9]  }
0x39: {  	_ = 	snop;
	(pc) =	sbr.ind lr, $3  }
0x3a: {  	_ = 	snop  }
0x3b: {  	_ = 	snop  }
0x3c: {  	p2 =	seq.s32 s10, $0x1;
	s10 =	sld [smem:$0x3FB8]  }
0x3d: {  	_ =	shalt  }
0x3e: {  	_ =	shalt  }
0x3f: {  	_ =	shalt  }
0x40: {  	_ =	shalt  }
0x41: {  	_ =	shalt  }
0x42: {  	_ =	shalt  }
0x43: {  	_ =	shalt  }
0x44: {  	_ =	shalt  }
0x45: {  	_ =	shalt  }
0x46: {  	_ =	shalt  }
0x47: {  	_ =	shalt  }
0x48: {  	_ =	shalt  }
0x49: {  	_ =	shalt  }
0x4a: {  	_ =	shalt  }
0x4b: {  	_ =	shalt  }
0x4c: {  	_ =	shalt  }
0x4d: {  	_ =	shalt  }
0x4e: {  	_ =	shalt  }
0x4f: {  	_ =	shalt  }
0x50: {  	_ =	shalt  }
0x51: {  	_ =	shalt  }
0x52: {  	_ =	shalt  }
0x53: {  	_ =	shalt  }
0x54: {  	_ =	shalt  }
0x55: {  	_ =	shalt  }
0x56: {  	_ =	shalt  }
0x57: {  	_ =	shalt  }
0x58: {  	_ =	shalt  }
0x59: {  	_ =	shalt  }
0x5a: {  	_ =	shalt  }
0x5b: {  	_ =	shalt  }
0x5c: {  	_ =	shalt  }
0x5d: {  	_ =	shalt  }
0x5e: {  	_ =	shalt  }
0x5f: {  	_ =	shalt  }
0x60: {  	_ =	shalt  }
0x61: {  	_ =	shalt  }
0x62: {  	_ =	shalt  }
0x63: {  	_ =	shalt  }
0x64: {  	_ =	shalt  }
0x65: {  	_ =	shalt  }
0x66: {  	_ =	shalt  }
0x67: {  	_ =	shalt  }
0x68: {  	_ =	shalt  }
0x69: {  	_ =	shalt  }
0x6a: {  	_ =	shalt  }
0x6b: {  	_ =	shalt  }
0x6c: {  	_ =	shalt  }
0x6d: {  	_ =	shalt  }
0x6e: {  	_ =	shalt  }
0x6f: {  	_ =	shalt  }
0x70: {  	_ =	shalt  }
0x71: {  	_ =	shalt  }
0x72: {  	_ =	shalt  }
0x73: {  	_ =	shalt  }
0x74: {  	_ =	shalt  }
0x75: {  	_ =	shalt  }
0x76: {  	_ =	shalt  }
0x77: {  	_ =	shalt  }
0x78: {  	_ =	shalt  }
0x79: {  	_ =	shalt  }
0x7a: {  	_ =	shalt  }
0x7b: {  	_ =	shalt  }
0x7c: {  	_ =	shalt  }
0x7d: {  	_ =	shalt  }
0x7e: {  	_ =	shalt  }
0x7f: {  	_ =	shalt  }
0x80: {  	_ =	shalt  }
0x81: {  	_ =	shalt  }
0x82: {  	_ =	shalt  }
0x83: {  	_ =	shalt  }
0x84: {  	_ =	shalt  }
0x85: {  	_ =	shalt  }
0x86: {  	_ =	shalt  }
0x87: {  	_ =	shalt  }
.Lfunc_end0:
.L_simem_size_0:
called_computation_lowered:
.L_overlay_start_0:
0x88: {  	s0 =	sld [smem:$0x3FD9]  }
0x89: {  	s1 =	sld [smem:$0x3FFE];
	_ =	sdelay $0x3  }
0x8a: {  	s0 =	sadd.s32 s1, s0  }
0x8b: {  	[smem:$0x3FC4] =	sst s0  }
0x8c: {  	_ = 	snop  }
0x8d: {  	s0 =	sld [smem:$0x3FC9]  }
0x8e: {  	s17 =	sld [smem:$0x3FC8]  }
0x8f: {  	s2 =	sld [smem:$0x3FC7]  }
0x90: {  	s3 =	sld [smem:$0x3FC6]  }
0x91: {  	s4 =	sld [smem:$0x3FD0];
	(tm) =	ssettm $0x1  }
0x92: {  	s5 =	sld [smem:$0x3FFB];
	_ =	sdelay $0x3  }
0x93: {  	_ =	strace s5  }
0x94: {  	s5 =	sld [smem:$0x3FFC];
	_ =	sdelay $0x3  }
0x95: {  	_ =	strace s5  }
0x96: {  	s5 =	sld [smem:$0x3FFD];
	_ =	sdelay $0x3  }
0x97: {  	_ =	strace s5  }
0x98: {  	_ =	strace $0x8FFFFFFF  }
0x99: {  	s18 =	sld [smem:$0x3FDB];
	_ =	sdelay $0x1  }
0x9a: {  	s6 =	simm.s32 $_scs_section_size  }
0x9b: {  	s7 =	simm.s32 $_size__tile_overlayer_lowered;
	s8 =	simm.s32 $_tile_overlayer_lowered  }
0x9c: {  	s21 =	simm.s32 $0x1BFF;
	s20 =	sshll.u32 s8, $0x1;
	s5 =	sadd.s32 s6, s18  }
0x9d: {  	s9 =	simm.s32 $0x0;
	s19 =	sshll.u32 s7, $0x1;
	s7 =	sadd.s32 s20, s5  }
0x9e: {  	[timem:s9], [sflag:s21] =	dma.local [hbm:s7], s19  }
0x9f: {  	_ =	swait.ge [sflag:s21], s19  }
0xa0: {  	s6 =	ssub.s32 $0x0, s19;
	[sflag:s21] =	ssyncset.done $0x0  }
0xa1: {  	[sflag:s21] =	ssyncadd.s32 s6;
	_ =	sdelay $0x1  }
0xa2: {  	s22 =	simm.s32 $0x1B8B  }
0xa3: {  	_ =	swait.ge [sflag:s22], $0x1  }
0xa4: {  	[sflag:s22] =	ssyncset.done $0x0  }
0xa5: {  	s23 =	simm.s32 $0x1B8E;
	[sflag:s22] =	ssyncadd.s32 $0xFFFFFFFF  }
0xa6: {  	s24 =	simm.s32 $execute0_lowered;
	[smem:$0x3FD2] =	sst s23  }
0xa7: {  	s6 =	sshll.u32 s24, $0x1;
	_ =	strace $0x80000046;
	[dreg:$0x1] =	wrdreg $0xFFFFFFFF  }
0xa8: {  	s25 =	simm.s32 $_size_execute0_lowered;
	s5 =	sadd.s32 s5, s6;
	[dreg:$0x0] =	wrdreg $0x0  }
0xa9: {  	s6 =	sshll.u32 s25, $0x1;
	[dreg:$0x2] =	wrdreg s5  }
0xaa: {  	[dreg:$0x3] =	wrdreg s6  }
0xab: {  	[dreg:$0x4] =	wrdreg $0xC0  }
0xac: {  	_ =	task [dreg:s9], $0x5FFFF  }
0xad: {  	[dreg:$0x1] =	wrdreg $0xFFFFFFFF  }
0xae: {  	[dreg:$0x0] =	wrdreg $0x60  }
0xaf: {  	[dreg:$0x2] =	wrdreg s0  }
0xb0: {  	[dreg:$0x3] =	wrdreg s17  }
0xb1: {  	[dreg:$0x4] =	wrdreg s2  }
0xb2: {  	[dreg:$0x5] =	wrdreg s3  }
0xb3: {  	[dreg:$0x6] =	wrdreg s4  }
0xb4: {  	[dreg:$0x7] =	wrdreg $0x9  }
0xb5: {  	_ =	task.clear_ibuf [dreg:s9], $0x8FFFF;
	_ =	strace $0x90000046  }
0xb6: {  	s26 =	simm.s32 $0x9;
	_ =	strace $0x80000048  }
0xb7: {  	_ =	swait.ge [sflag:s26], $0x1  }
0xb8: {  	[sflag:s26] =	ssyncadd.s32 $0xFFFFFFFF  }
0xb9: {  	_ =	strace $0x90000048  }
0xba: {  	_ =	sfence  }
0xbb: {  	s28 =	sld [smem:$0x0];
	_ =	sdelay $0x1  }
0xbc: {  	s29 =	srdreg.scid  }
0xbd: {  	s30 =	sshll.u32 s29, $0xD;
	s31 =	sshrl.u32 s29, $0x2  }
0xbe: {  	s1 =	sand.u32 $0x1, s29;
	s2 =	sand.u32 $0x4000, s30;
	s0 =	sadd.s32 s31, s28  }
0xbf: {  	s1 =	sor.u32 s2, s1;
	s0 =	sshll.u32 s0, $0x11  }
0xc0: {  	s0 =	sor.u32 s0, s1  }
0xc1: {  	s0 =	sadd.s32 $0x8F2B, s0  }
0xc2: {  	[sflag:s0] =	ssyncadd.remote.s32 $0x1  }
0xc3: {  	_ =	sfence.sel $0xFFFF  }
0xc4: {  	[dreg:$0x0] =	wrdreg $0xFFFFFFFF;
	(pc) =	sbr.abs _section_cstart, $3  }
0xc5: {  	[dreg:$0x1] =	wrdreg $0xFFFFFFFF  }
0xc6: {  	_ =	task.clear_ibuf [dreg:s9], $0x2FFFF;
	_ =	strace $0x9FFFFFFF  }
0xc7: {  	(tm) =	ssettm $0x7FFFFFFF  }
tec
execute0_lowered:
.L_overlay_start_1:
0x0: {  	(tag) =	ssettag $0x1  }
0x1: {  	s4 =	rddreg [dreg:$0x0]  }
0x2: {  	s5 =	rddreg [dreg:$0x1]  }
0x3: {  	s6 =	rddreg [dreg:$0x2]  }
0x4: {  	s7 =	rddreg [dreg:$0x3]  }
0x5: {  	s2 =	rddreg [dreg:$0x4];
	s3 =	simm.s32 $0x0;
	s1 =	stileid.u32  }
0x6: {  	[smem:$0x7FF] =	sst s3;
	s8 =	sshll.u32 s1, $0x7  }
0x7: {  	s0 =	rddreg [dreg:$0x5];
	_ =	strace $0x80000047;
	s4 =	sadd.s32 s4, s8  }
0x8: {  	[tilespmem:s3], [sflag:$0x1] =	stream.linear.gather [hbm4b:s4+s3], $0x400, $0x38;
	[tilespmem:$0x3000] =	vst v63  }
0x9: {  	s16 =	simm.s32 $0x400;
	s15 =	sadd.s32 s5, s8  }
0xa: {  	[tilespmem:s16], [sflag:$0x1] =	stream.linear.gather [hbm4b:s15+s3], $0x400, $0x38;
	[tilespmem:$0x3000] =	vst v63  }
0xb: {  	s11 =	simm.s32 $0x800;
	s17 =	sadd.s32 s6, s8  }
0xc: {  	[tilespmem:s11], [sflag:$0x1] =	stream.linear.gather [hbm4b:s17+s3], $0x400, $0x38;
	[tilespmem:$0x3000] =	vst v63  }
0xd: {  	s10 =	simm.s32 $0xC00;
	s19 =	simm.s32 $0x1;
	s18 =	sadd.s32 s7, s8  }
0xe: {  	[tilespmem:s10], [sflag:$0x1] =	stream.linear.gather [hbm4b:s18+s3], $0x400, $0x38;
	[tilespmem:$0x3000] =	vst v63  }
0xf: {  	_ =	swait.ge [sflag:s19], $0x400  }
0x10: {  	[sflag:s19] =	ssyncset.done $0x0  }
0x11: {  	[sflag:s19] =	ssyncadd.s32 $0xFFFFFC00  }
0x12: {  	_ =	swait.ge [sflag:s19], $0x400  }
0x13: {  	[sflag:s19] =	ssyncset.done $0x0  }
0x14: {  	[sflag:s19] =	ssyncadd.s32 $0xFFFFFC00  }
0x15: {  	_ =	swait.ge [sflag:s19], $0x400  }
0x16: {  	[sflag:s19] =	ssyncset.done $0x0  }
0x17: {  	[sflag:s19] =	ssyncadd.s32 $0xFFFFFC00  }
0x18: {  	s20 =	simm.s32 $0x0;
	_ =	swait.ge [sflag:s19], $0x400  }
0x19: {  	s21 =	sand.u32 $0x60, s20;
	[sflag:s19] =	ssyncset.done $0x0  }
0x1a: {  	s23 =	sand.u32 $0x180, s20;
	s22 =	sor.u32 $0x10, s21;
	[sflag:s19] =	ssyncadd.s32 $0xFFFFFC00  }
0x1b: {  	s9 =	sor.u32 s23, s22;
	v0 =	vld [tilespmem:s16+$0x0]  }
0x1c: {  	v1 =	vld [tilespmem:s9+$0x400];
	_ =	sdelay $0x3  }
0x1d: {  	v2 =	vmax.f32 v0, $9.999999970e-07  }
0x1e: {  	v1 =	vmax.f32 v1, $9.999999970e-07;
	v0 =	vand.u32 $0x7FFFFF, v2  }
0x1f: {  	v3 =	vand.u32 $0x7FFFFF, v1;
	v0 =	vor.u32 $0x3F800000, v0  }
0x20: {  	s25 =	simm.s32 $0x20;
	v4 =	vadd.f32 $-1.000000000e+00, v0;
	v0 =	vor.u32 $0x3F800000, v3  }
0x21: {  	s4 =	sand.u32 $0x60, s25;
	v3 =	vadd.f32 $-1.000000000e+00, v0  }
0x22: {  	s24 =	simm.s32 $0x420;
	s5 =	sand.u32 $0x180, s25;
	s6 =	sor.u32 $0x10, s4  }
0x23: {  	s5 =	sor.u32 s5, s6;
	v6 =	vld [tilespmem:s24+$0x0];
	v5 =	vmul.f32 $1.294578240e-02, v3  }
0x24: {  	v8 =	vld [tilespmem:s5+$0x400]  }
0x25: {  	v12 =	vld [tilespmem:s3+$0x0];
	v5 =	vadd.f32 $-5.643969400e-02, v5  }
0x26: {  	v0 =	vmul.f32 $1.294578240e-02, v4  }
0x27: {  	v5 =	vmul.f32 v5, v3  }
0x28: {  	v16 =	vld [tilespmem:s9+$0x0];
	v0 =	vadd.f32 $-5.643969400e-02, v0  }
0x29: {  	v6 =	vmax.f32 v6, $9.999999970e-07;
	v5 =	vadd.f32 $1.232628450e-01, v5  }
0x2a: {  	v8 =	vmax.f32 v8, $9.999999970e-07;
	vm1 =	veq.s32 v12, $0x0;
	v0 =	vmul.f32 v0, v4  }
0x2b: {  	vm2 =	veq.s32 v12, $0x1;
	(erf) = vrcp.f32 v1;
	v5 =	vmul.f32 v5, v3  }
0x2c: {  	vm0 =	veq.s32 v12, $0x2;
	(erf) = vrcp.f32 v2;
	v0 =	vadd.f32 $1.232628450e-01, v0  }
0x2d: {  	vm13 =	veq.s32 v16, $0x0;
	vm14 =	veq.s32 v16, $0x1;
	v5 =	vadd.f32 $-2.126736190e-01, v5  }
0x2e: {  	v7 =	vand.u32 $0x7FFFFF, v6;
	v1 =	vshra.s32 v1, $0x17;
	v0 =	vmul.f32 v0, v4  }
0x2f: {  	v11 =	vand.u32 $0x7FFFFF, v8;
	v1 =	vadd.s32 $0xFFFFFF81, v1;
	v5 =	vmul.f32 v5, v3  }
0x30: {  	v7 =	vor.u32 $0x3F800000, v7;
	v1 =	vcvt.s32.f32 v1;
	v9 =	vadd.f32 $-2.126736190e-01, v0  }
0x31: {  	v11 =	vor.u32 $0x3F800000, v11;
	(erf) = vrcp.f32 v8;
	v5 =	vadd.f32 $4.339324530e-01, v5  }
0x32: {  	v13 =	vld [tilespmem:s11+$0x0];
	v10 =	vadd.f32 $-1.000000000e+00, v7;
	v1 =	vmul.f32 $3.010300100e-01, v1;
	v7 =	vmul.f32 v9, v4  }
0x33: {  	s26 =	simm.s32 $0x440;
	v9 =	vshra.s32 v2, $0x17;
	v3 =	vmul.f32 v5, v3;
	v5 =	vadd.f32 $-1.000000000e+00, v11  }
0x34: {  	v15 =	vpop (erf);
	v2 =	vadd.s32 $0xFFFFFF81, v9;
	v9 =	vmul.f32 $1.294578240e-02, v10;
	v7 =	vadd.f32 $4.339324530e-01, v7;
	v11 =	vld [tilespmem:s26+$0x0]  }
0x35: {  	vm15 =	veq.s32 v16, $0x2;
	v17 =	vpop (erf);
	(erf) = vrcp.f32 v6;
	v14 =	vmul.f32 $1.294578240e-02, v5  }
0x36: {  	v2 =	vcvt.s32.f32 v2;
	v9 =	vadd.f32 $-5.643969400e-02, v9;
	v4 =	vmul.f32 v7, v4;
	v7 =	vld [tilespmem:s10+$0x0]  }
0x37: {  	s28 =	sand.u32 $0xC00, s3;
	v12 =	vmul.f32 v17, v13;
	v13 =	vld [tilespmem:s9+$0xC00];
	v3 =	vadd.f32 $-2.499994990e+00, v3;
	v14 =	vadd.f32 $-5.643969400e-02, v14  }
0x38: {  	s29 =	sor.u32 $0x1000, s28;
	v2 =	vmul.f32 $3.010300100e-01, v2;
	v9 =	vmul.f32 v9, v10;
	v4 =	vadd.f32 $-2.499994990e+00, v4  }
0x39: {  	s14 =	sor.u32 s21, s29;
	v3 =	vadd.f32 v3, v1;
	v1 =	vmax.f32 v11, $9.999999970e-07;
	v11 =	vmul.f32 v14, v5  }
0x3a: {  	s13 =	simm.s32 $0x40;
	s30 =	sor.u32 s22, s29;
	v0 =	vimm.f32 $0.0e+00;
	[tilespmem:s14+$0x200] =	vst v12;
	v9 =	vadd.f32 $1.232628450e-01, v9;
	v2 =	vadd.f32 v4, v2;
	v4 =	vld [tilespmem:s9+$0x800]  }
0x3b: {  	s7 =	sand.u32 $0x60, s13;
	v62 =	vsel vm2, $0x3F800000, v0;
	v7 =	vmul.f32 v17, v7;
	[tilespmem:s30+$0x180] =	vst v3;
	v3 =	vadd.f32 $1.232628450e-01, v11  }
0x3c: {  	s31 =	sand.u32 $0x180, s13;
	s8 =	sor.u32 $0x10, s7;
	v12 =	vmul.f32 v15, v13;
	v9 =	vmul.f32 v9, v10;
	[tilespmem:s14+$0x180] =	vst v2;
	v2 =	vsel vm13, $0x3F800000, v0  }
0x3d: {  	s9 =	sor.u32 s31, s8;
	v14 =	vsel vm1, $0x3F800000, v0;
	[tilespmem:s14+$0x280] =	vst v7;
	v7 =	vand.u32 $0x7FFFFF, v1;
	v3 =	vmul.f32 v3, v5  }
0x3e: {  	v13 =	vld [tilespmem:s9+$0x400];
	v9 =	vadd.f32 $-2.126736190e-01, v9;
	[tilespmem:s14+$0x0] =	vst v14;
	v7 =	vor.u32 $0x3F800000, v7;
	v14 =	vsel vm0, $0x3F800000, v0  }
0x3f: {  	v4 =	vmul.f32 v15, v4;
	v11 =	vsel vm14, $0x3F800000, v0;
	v3 =	vadd.f32 $-2.126736190e-01, v3  }
0x40: {  	[tilespmem:s30+$0x0] =	vst v2;
	v15 =	vsel vm15, $0x3F800000, v0;
	v2 =	vadd.f32 $-1.000000000e+00, v7;
	v7 =	vshra.s32 v6, $0x17  }
0x41: {  	v63 =	vmul.f32 v9, v10;
	[tilespmem:s30+$0x200] =	vst v4;
	v4 =	vadd.s32 $0xFFFFFF81, v7;
	v7 =	vmul.f32 v3, v5  }
0x42: {  	[tilespmem:s14+$0x80] =	vst v62;
	v9 =	vmul.f32 $1.294578240e-02, v2;
	v18 =	vcvt.s32.f32 v4;
	v4 =	vshra.s32 v8, $0x17  }
0x43: {  	s10 =	simm.s32 $0x20;
	[tilespmem:s30+$0x280] =	vst v12;
	v4 =	vadd.s32 $0xFFFFFF81, v4;
	v3 =	vmax.f32 v13, $9.999999970e-07;
	v8 =	vadd.f32 $4.339324530e-01, v7  }
0x44: {  	s12 =	simm.s32 $0x820;
	v6 =	vld [tilespmem:s10+$0x0];
	[tilespmem:s14+$0x100] =	vst v14;
	v16 =	vadd.f32 $4.339324530e-01, v63;
	v12 =	vcvt.s32.f32 v4;
	v7 =	vand.u32 $0x7FFFFF, v3  }
0x45: {  	s11 =	simm.s32 $0xC20;
	[tilespmem:s30+$0x80] =	vst v11;
	(erf) = vrcp.f32 v3;
	v13 =	vor.u32 $0x3F800000, v7;
	v7 =	vld [tilespmem:s12+$0x0];
	v11 =	vmul.f32 v8, v5  }
0x46: {  	s14 =	simm.s32 $0x460;
	[tilespmem:s30+$0x100] =	vst v15;
	v5 =	vpop (erf);
	v4 =	vadd.f32 $-1.000000000e+00, v13;
	v13 =	vmul.f32 v16, v10;
	v10 =	vmul.f32 $3.010300100e-01, v18;
	v8 =	vld [tilespmem:s11+$0x0]  }
.LBB2_1:
0x47: {  	v14 =	vld [tilespmem:s14+$0x0];
	v9 =	vadd.f32 $-5.643969400e-02, v9;
	v11 =	vadd.f32 $-2.499994990e+00, v11;
	v12 =	vmul.f32 $3.010300100e-01, v12;
	s3 =	sadd.s32 $0x100, s3  }
0x48: {  	v17 =	vmul.f32 $1.294578240e-02, v4;
	v13 =	vadd.f32 $-2.499994990e+00, v13;
	s15 =	sand.u32 $0xC00, s3  }
0x49: {  	v9 =	vmul.f32 v9, v2;
	vm1 =	veq.s32 v6, $0x0;
	s16 =	sor.u32 $0x1000, s15;
	v16 =	vld [tilespmem:s5+$0x0];
	v11 =	vadd.f32 v11, v12  }
0x4a: {  	vm2 =	veq.s32 v6, $0x1;
	v12 =	vadd.f32 $-5.643969400e-02, v17;
	v15 =	vpop (erf)  }
0x4b: {  	vm0 =	veq.s32 v6, $0x2;
	v17 =	vadd.f32 v13, v10;
	s15 =	sor.u32 s4, s16;
	v13 =	vld [tilespmem:s5+$0x800];
	s16 =	sor.u32 s6, s16;
	s4 =	smov.u32 s7;
	v6 =	vmul.f32 v15, v7  }
0x4c: {  	s6 =	smov.u32 s8;
	v9 =	vadd.f32 $1.232628450e-01, v9;
	v7 =	vld [tilespmem:s5+$0xC00];
	[tilespmem:s16+$0x180] =	vst v11;
	s5 =	smov.u32 s9;
	v8 =	vmul.f32 v15, v8;
	v12 =	vmul.f32 v12, v4  }
0x4d: {  	v15 =	vsel vm2, $0x3F800000, v0;
	v11 =	vmax.f32 v14, $9.999999970e-07;
	[tilespmem:s15+$0x180] =	vst v17;
	v14 =	vsel vm1, $0x3F800000, v0  }
0x4e: {  	s13 =	sadd.s32 $0x20, s13;
	v9 =	vmul.f32 v9, v2;
	v10 =	vpop (erf);
	[tilespmem:s15+$0x200] =	vst v6;
	v6 =	vadd.f32 $1.232628450e-01, v12;
	vm1 =	veq.s32 v16, $0x0  }
0x4f: {  	p0 =	slt.u32 s13, $0x1E0;
	s7 =	sand.u32 $0x60, s13;
	[tilespmem:s15+$0x280] =	vst v8;
	vm2 =	veq.s32 v16, $0x1;
	v8 =	vsel vm1, $0x3F800000, v0;
	vm1 =	veq.s32 v16, $0x2  }
0x50: {  	s8 =	sor.u32 $0x10, s7;
	s9 =	sand.u32 $0x180, s13;
	[tilespmem:s15+$0x0] =	vst v14;
	v12 =	vmul.f32 v5, v13;
	v13 =	vsel vm2, $0x3F800000, v0;
	v6 =	vmul.f32 v6, v4  }
0x51: {  	s9 =	sor.u32 s9, s8;
	v9 =	vadd.f32 $-2.126736190e-01, v9;
	v7 =	vmul.f32 v5, v7;
	[tilespmem:s16+$0x0] =	vst v8;
	v5 =	vmovc v10;
	v8 =	vand.u32 $0x7FFFFF, v11  }
0x52: {  	v14 =	vsel vm1, $0x3F800000, v0;
	v10 =	vld [tilespmem:s9+$0x400];
	[tilespmem:s16+$0x200] =	vst v12;
	v8 =	vor.u32 $0x3F800000, v8;
	v6 =	vadd.f32 $-2.126736190e-01, v6  }
0x53: {  	v12 =	vsel vm0, $0x3F800000, v0;
	[tilespmem:s16+$0x280] =	vst v7;
	v16 =	vadd.f32 $-1.000000000e+00, v8  }
0x54: {  	v7 =	vshra.s32 v1, $0x17;
	v8 =	vmul.f32 v9, v2;
	[tilespmem:s16+$0x80] =	vst v13;
	v6 =	vmul.f32 v6, v4  }
0x55: {  	v7 =	vadd.s32 $0xFFFFFF81, v7;
	(erf) = vrcp.f32 v1;
	[tilespmem:s16+$0x100] =	vst v14;
	v1 =	vmovc v11;
	v9 =	vmul.f32 $1.294578240e-02, v16  }
.Ltmp0:
0x56: {  	v8 =	vadd.f32 $4.339324530e-01, v8;
	v14 =	vcvt.s32.f32 v7;
	[tilespmem:s15+$0x80] =	vst v15;
	(pc) =	sbr.rel @p0 .LBB2_1-.Ltmp0, $4  }
0x57: {  	s10 =	sadd.s32 $0x20, s10;
	v7 =	vshra.s32 v3, $0x17;
	v3 =	vmax.f32 v10, $9.999999970e-07;
	v10 =	vadd.f32 $4.339324530e-01, v6;
	[tilespmem:s15+$0x100] =	vst v12  }
0x58: {  	s12 =	sadd.s32 $0x20, s12;
	v12 =	vadd.s32 $0xFFFFFF81, v7;
	v11 =	vand.u32 $0x7FFFFF, v3;
	(erf) = vrcp.f32 v3;
	v6 =	vld [tilespmem:s10+$0x0]  }
0x59: {  	s11 =	sadd.s32 $0x20, s11;
	v12 =	vcvt.s32.f32 v12;
	v13 =	vor.u32 $0x3F800000, v11;
	v7 =	vld [tilespmem:s12+$0x0];
	v11 =	vmul.f32 v10, v4  }
0x5a: {  	s14 =	sadd.s32 $0x20, s14;
	v10 =	vmul.f32 $3.010300100e-01, v14;
	v4 =	vadd.f32 $-1.000000000e+00, v13;
	v13 =	vmul.f32 v8, v2;
	v8 =	vld [tilespmem:s11+$0x0];
	v2 =	vmovc v16  }
0x5b: {  	_ = 	snop  }
0x5c: {  	v9 =	vadd.f32 $-5.643969400e-02, v9;
	v14 =	vmul.f32 $1.294578240e-02, v4;
	_ =	sdelay $0x1  }
0x5d: {  	v13 =	vadd.f32 $-2.499994990e+00, v13;
	v9 =	vmul.f32 v9, v2;
	v14 =	vadd.f32 $-5.643969400e-02, v14  }
0x5e: {  	v11 =	vadd.f32 $-2.499994990e+00, v11;
	v12 =	vmul.f32 $3.010300100e-01, v12  }
0x5f: {  	s3 =	sadd.s32 $0x100, s3;
	(erf) = vrcp.f32 v1;
	v9 =	vadd.f32 $1.232628450e-01, v9;
	v14 =	vmul.f32 v14, v4  }
0x60: {  	v15 =	vld [tilespmem:s5+$0x0];
	v3 =	vshra.s32 v3, $0x17;
	s13 =	sand.u32 $0xC00, s3;
	vm2 =	veq.s32 v6, $0x0;
	v11 =	vadd.f32 v11, v12  }
0x61: {  	s13 =	sor.u32 $0x1000, s13;
	v12 =	vld [tilespmem:s5+$0x800];
	v10 =	vadd.f32 v13, v10;
	v13 =	vpop (erf);
	v9 =	vmul.f32 v9, v2;
	v14 =	vadd.f32 $1.232628450e-01, v14  }
0x62: {  	vm1 =	veq.s32 v6, $0x1;
	vm0 =	veq.s32 v6, $0x2;
	s4 =	sor.u32 s4, s13;
	v6 =	vmul.f32 v13, v7;
	v7 =	vld [tilespmem:s5+$0xC00]  }
0x63: {  	v1 =	vshra.s32 v1, $0x17;
	s6 =	sor.u32 s6, s13;
	[tilespmem:s4+$0x180] =	vst v10;
	v9 =	vadd.f32 $-2.126736190e-01, v9;
	v14 =	vmul.f32 v14, v4  }
0x64: {  	v3 =	vadd.s32 $0xFFFFFF81, v3;
	[tilespmem:s6+$0x180] =	vst v11;
	v11 =	vsel vm2, $0x3F800000, v0;
	v8 =	vmul.f32 v13, v8  }
0x65: {  	vm13 =	veq.s32 v15, $0x0;
	[tilespmem:s4+$0x0] =	vst v11;
	v9 =	vmul.f32 v9, v2;
	v14 =	vadd.f32 $-2.126736190e-01, v14  }
0x66: {  	v1 =	vadd.s32 $0xFFFFFF81, v1;
	v10 =	vsel vm13, $0x3F800000, v0;
	[tilespmem:s4+$0x280] =	vst v8;
	v8 =	vmul.f32 v5, v12  }
0x67: {  	[tilespmem:s4+$0x200] =	vst v6;
	v5 =	vmul.f32 v5, v7;
	v7 =	vadd.f32 $4.339324530e-01, v9;
	v6 =	vmul.f32 v14, v4  }
0x68: {  	s31 =	sadd.s32 $0x20, s10;
	v3 =	vcvt.s32.f32 v3;
	v1 =	vcvt.s32.f32 v1;
	[tilespmem:s6+$0x0] =	vst v10  }
0x69: {  	v11 =	vsel vm0, $0x3F800000, v0;
	[tilespmem:s6+$0x200] =	vst v8;
	v8 =	vld [tilespmem:s31+$0x0];
	v2 =	vmul.f32 v7, v2;
	v6 =	vadd.f32 $4.339324530e-01, v6  }
0x6a: {  	s10 =	sadd.s32 $0x20, s12;
	v1 =	vmul.f32 $3.010300100e-01, v1;
	vm14 =	veq.s32 v15, $0x1;
	vm15 =	veq.s32 v15, $0x2;
	[tilespmem:s4+$0x100] =	vst v11  }
0x6b: {  	s11 =	sadd.s32 $0x20, s11;
	s3 =	sadd.s32 $0x100, s3;
	v12 =	vsel vm14, $0x3F800000, v0;
	[tilespmem:s6+$0x280] =	vst v5;
	v5 =	vld [tilespmem:s10+$0x0];
	v2 =	vadd.f32 $-2.499994990e+00, v2;
	v4 =	vmul.f32 v6, v4  }
0x6c: {  	s3 =	sand.u32 $0xC00, s3;
	v3 =	vmul.f32 $3.010300100e-01, v3;
	[tilespmem:s6+$0x80] =	vst v12;
	v7 =	vld [tilespmem:s11+$0x0];
	v6 =	vsel vm15, $0x3F800000, v0  }
0x6d: {  	s3 =	sor.u32 $0x1000, s3;
	v9 =	vsel vm1, $0x3F800000, v0;
	[tilespmem:s6+$0x100] =	vst v6;
	v6 =	vld [tilespmem:s9+$0x0];
	v1 =	vadd.f32 v2, v1;
	v4 =	vadd.f32 $-2.499994990e+00, v4  }
0x6e: {  	s13 =	sor.u32 s7, s3;
	v10 =	vpop (erf);
	[tilespmem:s4+$0x80] =	vst v9;
	v9 =	vld [tilespmem:s9+$0xC00];
	vm4 =	veq.s32 v8, $0x0  }
0x6f: {  	v2 =	vpop (erf);
	[tilespmem:s13+$0x180] =	vst v1;
	v1 =	vsel vm4, $0x3F800000, v0;
	v3 =	vadd.f32 v4, v3  }
0x70: {  	s12 =	sor.u32 s8, s3;
	v5 =	vmul.f32 v2, v5;
	[tilespmem:s13+$0x0] =	vst v1  }
0x71: {  	v4 =	vld [tilespmem:s9+$0x800];
	v2 =	vmul.f32 v2, v7;
	[tilespmem:s12+$0x180] =	vst v3  }
0x72: {  	[tilespmem:s13+$0x200] =	vst v5;
	vm5 =	veq.s32 v6, $0x0  }
0x73: {  	[tilespmem:s13+$0x280] =	vst v2;
	v3 =	vmul.f32 v10, v9;
	v1 =	vsel vm5, $0x3F800000, v0  }
0x74: {  	vm6 =	veq.s32 v6, $0x1;
	[tilespmem:s12+$0x0] =	vst v1  }
0x75: {  	vm8 =	veq.s32 v8, $0x1;
	v1 =	vsel vm6, $0x3F800000, v0;
	[tilespmem:s12+$0x280] =	vst v3  }
0x76: {  	v2 =	vmul.f32 v10, v4;
	[tilespmem:s12+$0x80] =	vst v1;
	v1 =	vsel vm8, $0x3F800000, v0  }
0x77: {  	s16 =	simm.s32 $0x200;
	vm7 =	veq.s32 v6, $0x2;
	[tilespmem:s13+$0x80] =	vst v1  }
0x78: {  	s15 =	simm.s32 $0x0;
	s17 =	sand.u32 $0x60, s16;
	vm9 =	veq.s32 v8, $0x2;
	[tilespmem:s12+$0x200] =	vst v2;
	v2 =	vsel vm7, $0x3F800000, v0  }
0x79: {  	s18 =	simm.s32 $0x600;
	s19 =	sor.u32 $0x10, s17;
	s3 =	sshll.u32 s1, $0xA;
	v0 =	vsel vm9, $0x3F800000, v0;
	[tilespmem:s12+$0x100] =	vst v2  }
0x7a: {  	s14 =	sadd.s32 s2, s3;
	s5 =	sand.u32 $0x380, s16;
	s4 =	simm.s32 $0x1000;
	[tilespmem:s13+$0x100] =	vst v0  }
0x7b: {  	[hbm4b:s14+s15] =	stream.linear.scatter [tilespmem:s4], [sflag:$0x2], $0x1000, $0x38;
	[tilespmem:$0x3000] =	vst v63  }
0x7c: {  	s20 =	sor.u32 s5, s19;
	v0 =	vld [tilespmem:s18+$0x0]  }
0x7d: {  	v1 =	vld [tilespmem:s20+$0x400];
	_ =	sdelay $0x3  }
0x7e: {  	v2 =	vmax.f32 v0, $9.999999970e-07  }
0x7f: {  	v1 =	vmax.f32 v1, $9.999999970e-07;
	v0 =	vand.u32 $0x7FFFFF, v2  }
0x80: {  	v3 =	vand.u32 $0x7FFFFF, v1;
	v0 =	vor.u32 $0x3F800000, v0  }
0x81: {  	v4 =	vadd.f32 $-1.000000000e+00, v0;
	v0 =	vor.u32 $0x3F800000, v3  }
0x82: {  	v3 =	vadd.f32 $-1.000000000e+00, v0  }
0x83: {  	s22 =	simm.s32 $0x220  }
0x84: {  	s5 =	sand.u32 $0x60, s22;
	v5 =	vmul.f32 $1.294578240e-02, v3  }
0x85: {  	s21 =	simm.s32 $0x620;
	s7 =	sor.u32 $0x10, s5;
	s6 =	sand.u32 $0x380, s22  }
0x86: {  	s6 =	sor.u32 s6, s7;
	v6 =	vld [tilespmem:s21+$0x0];
	v0 =	vmul.f32 $1.294578240e-02, v4;
	v5 =	vadd.f32 $-5.643969400e-02, v5  }
0x87: {  	s23 =	simm.s32 $0x200;
	v8 =	vld [tilespmem:s6+$0x400]  }
0x88: {  	v12 =	vld [tilespmem:s23+$0x0];
	v0 =	vadd.f32 $-5.643969400e-02, v0;
	v5 =	vmul.f32 v5, v3  }
0x89: {  	v16 =	vld [tilespmem:s20+$0x0]  }
0x8a: {  	(erf) = vrcp.f32 v1;
	v0 =	vmul.f32 v0, v4;
	v5 =	vadd.f32 $1.232628450e-01, v5  }
0x8b: {  	v6 =	vmax.f32 v6, $9.999999970e-07;
	(erf) = vrcp.f32 v2  }
0x8c: {  	v8 =	vmax.f32 v8, $9.999999970e-07;
	v0 =	vadd.f32 $1.232628450e-01, v0;
	v5 =	vmul.f32 v5, v3  }
0x8d: {  	vm10 =	veq.s32 v12, $0x0;
	vm11 =	veq.s32 v12, $0x1;
	vm12 =	veq.s32 v12, $0x2  }
0x8e: {  	vm13 =	veq.s32 v16, $0x0;
	v0 =	vmul.f32 v0, v4;
	v5 =	vadd.f32 $-2.126736190e-01, v5  }
0x8f: {  	s24 =	simm.s32 $0xA00;
	v7 =	vand.u32 $0x7FFFFF, v6;
	v1 =	vshra.s32 v1, $0x17;
	v11 =	vand.u32 $0x7FFFFF, v8  }
0x90: {  	v13 =	vld [tilespmem:s24+$0x0];
	v7 =	vor.u32 $0x3F800000, v7;
	v9 =	vadd.f32 $-2.126736190e-01, v0;
	v5 =	vmul.f32 v5, v3  }
0x91: {  	v1 =	vadd.s32 $0xFFFFFF81, v1;
	v11 =	vor.u32 $0x3F800000, v11;
	v10 =	vadd.f32 $-1.000000000e+00, v7  }
0x92: {  	v7 =	vmul.f32 v9, v4;
	v9 =	vshra.s32 v2, $0x17;
	v5 =	vadd.f32 $4.339324530e-01, v5  }
0x93: {  	v1 =	vcvt.s32.f32 v1;
	v15 =	vpop (erf);
	v2 =	vadd.s32 $0xFFFFFF81, v9;
	v9 =	vmul.f32 $1.294578240e-02, v10  }
0x94: {  	s26 =	simm.s32 $0x640;
	(erf) = vrcp.f32 v8;
	v17 =	vpop (erf);
	v3 =	vmul.f32 v5, v3;
	v5 =	vadd.f32 $-1.000000000e+00, v11  }
0x95: {  	v12 =	vmul.f32 v17, v13;
	v7 =	vadd.f32 $4.339324530e-01, v7;
	v9 =	vadd.f32 $-5.643969400e-02, v9;
	v11 =	vld [tilespmem:s26+$0x0]  }
0x96: {  	s25 =	simm.s32 $0xE00;
	s28 =	sand.u32 $0x1C00, s4;
	vm14 =	veq.s32 v16, $0x1;
	v13 =	vld [tilespmem:s20+$0xC00];
	v2 =	vcvt.s32.f32 v2;
	v14 =	vmul.f32 $1.294578240e-02, v5  }
0x97: {  	s29 =	sadd.s32 $0x1000, s28;
	vm15 =	veq.s32 v16, $0x2;
	v4 =	vmul.f32 v7, v4;
	v7 =	vld [tilespmem:s25+$0x0];
	v9 =	vmul.f32 v9, v10  }
0x98: {  	v1 =	vmul.f32 $3.010300100e-01, v1;
	v3 =	vadd.f32 $-2.499994990e+00, v3;
	v14 =	vadd.f32 $-5.643969400e-02, v14  }
0x99: {  	v2 =	vmul.f32 $3.010300100e-01, v2;
	v4 =	vadd.f32 $-2.499994990e+00, v4;
	v9 =	vadd.f32 $1.232628450e-01, v9  }
0x9a: {  	s15 =	sor.u32 s17, s29;
	v3 =	vadd.f32 v3, v1;
	v1 =	vmax.f32 v11, $9.999999970e-07;
	v11 =	vmul.f32 v14, v5  }
0x9b: {  	s30 =	sor.u32 s19, s29;
	s14 =	simm.s32 $0x240;
	v0 =	vimm.f32 $0.0e+00;
	[tilespmem:s15+$0x200] =	vst v12;
	v12 =	vmul.f32 v15, v13;
	v2 =	vadd.f32 v4, v2;
	v4 =	vld [tilespmem:s20+$0x800]  }
0x9c: {  	s8 =	sand.u32 $0x60, s14;
	v7 =	vmul.f32 v17, v7;
	v9 =	vmul.f32 v9, v10;
	[tilespmem:s30+$0x180] =	vst v3;
	v3 =	vadd.f32 $1.232628450e-01, v11  }
0x9d: {  	s31 =	sand.u32 $0x380, s14;
	s9 =	sor.u32 $0x10, s8;
	(erf) = vrcp.f32 v6;
	v62 =	vsel vm11, $0x3F800000, v0;
	[tilespmem:s30+$0x280] =	vst v12;
	v14 =	vsel vm10, $0x3F800000, v0  }
0x9e: {  	s10 =	sor.u32 s31, s9;
	[tilespmem:s15+$0x280] =	vst v7;
	v7 =	vand.u32 $0x7FFFFF, v1;
	v9 =	vadd.f32 $-2.126736190e-01, v9;
	v3 =	vmul.f32 v3, v5  }
0x9f: {  	v13 =	vld [tilespmem:s10+$0x400];
	[tilespmem:s15+$0x0] =	vst v14;
	v7 =	vor.u32 $0x3F800000, v7;
	v14 =	vsel vm12, $0x3F800000, v0;
	v11 =	vsel vm13, $0x3F800000, v0  }
0xa0: {  	[tilespmem:s15+$0x180] =	vst v2;
	v2 =	vmul.f32 v15, v4;
	v4 =	vsel vm14, $0x3F800000, v0;
	v3 =	vadd.f32 $-2.126736190e-01, v3  }
0xa1: {  	v15 =	vsel vm15, $0x3F800000, v0;
	v63 =	vmul.f32 v9, v10;
	[tilespmem:s30+$0x80] =	vst v4;
	v4 =	vshra.s32 v8, $0x17  }
0xa2: {  	[tilespmem:s30+$0x200] =	vst v2;
	v2 =	vadd.f32 $-1.000000000e+00, v7;
	v7 =	vshra.s32 v6, $0x17;
	v12 =	vmul.f32 v3, v5  }
0xa3: {  	s11 =	simm.s32 $0x220;
	[tilespmem:s15+$0x80] =	vst v62;
	v16 =	vadd.f32 $4.339324530e-01, v63;
	v4 =	vadd.s32 $0xFFFFFF81, v4;
	v7 =	vadd.s32 $0xFFFFFF81, v7  }
0xa4: {  	v9 =	vmul.f32 $1.294578240e-02, v2;
	v3 =	vmax.f32 v13, $9.999999970e-07;
	v8 =	vadd.f32 $4.339324530e-01, v12  }
0xa5: {  	s13 =	simm.s32 $0xA20;
	[tilespmem:s15+$0x100] =	vst v14;
	v6 =	vld [tilespmem:s11+$0x0];
	v18 =	vcvt.s32.f32 v7;
	v7 =	vand.u32 $0x7FFFFF, v3;
	(erf) = vrcp.f32 v3  }
0xa6: {  	s12 =	simm.s32 $0xE20;
	[tilespmem:s30+$0x0] =	vst v11;
	v13 =	vor.u32 $0x3F800000, v7;
	v7 =	vld [tilespmem:s13+$0x0];
	v12 =	vcvt.s32.f32 v4;
	v11 =	vmul.f32 v8, v5  }
0xa7: {  	s15 =	simm.s32 $0x660;
	[tilespmem:s30+$0x100] =	vst v15;
	v4 =	vadd.f32 $-1.000000000e+00, v13;
	v13 =	vmul.f32 v16, v10;
	v10 =	vmul.f32 $3.010300100e-01, v18;
	v5 =	vpop (erf);
	v8 =	vld [tilespmem:s12+$0x0]  }
.LBB2_3:
0xa8: {  	v14 =	vld [tilespmem:s15+$0x0];
	v9 =	vadd.f32 $-5.643969400e-02, v9;
	v11 =	vadd.f32 $-2.499994990e+00, v11;
	v12 =	vmul.f32 $3.010300100e-01, v12;
	s4 =	sadd.s32 $0x100, s4  }
0xa9: {  	v17 =	vmul.f32 $1.294578240e-02, v4;
	v13 =	vadd.f32 $-2.499994990e+00, v13;
	s16 =	sand.u32 $0x1C00, s4  }
0xaa: {  	v9 =	vmul.f32 v9, v2;
	vm1 =	veq.s32 v6, $0x0;
	s17 =	sadd.s32 $0x1000, s16;
	v16 =	vld [tilespmem:s6+$0x0];
	v11 =	vadd.f32 v11, v12  }
0xab: {  	vm2 =	veq.s32 v6, $0x1;
	v12 =	vadd.f32 $-5.643969400e-02, v17;
	v15 =	vpop (erf)  }
0xac: {  	vm0 =	veq.s32 v6, $0x2;
	v17 =	vadd.f32 v13, v10;
	s16 =	sor.u32 s5, s17;
	v13 =	vld [tilespmem:s6+$0x800];
	s17 =	sor.u32 s7, s17;
	s5 =	smov.u32 s8;
	v6 =	vmul.f32 v15, v7  }
0xad: {  	s7 =	smov.u32 s9;
	v9 =	vadd.f32 $1.232628450e-01, v9;
	v7 =	vld [tilespmem:s6+$0xC00];
	[tilespmem:s17+$0x180] =	vst v11;
	s6 =	smov.u32 s10;
	v8 =	vmul.f32 v15, v8;
	v12 =	vmul.f32 v12, v4  }
0xae: {  	v15 =	vsel vm2, $0x3F800000, v0;
	v11 =	vmax.f32 v14, $9.999999970e-07;
	[tilespmem:s16+$0x180] =	vst v17;
	v14 =	vsel vm1, $0x3F800000, v0  }
0xaf: {  	s14 =	sadd.s32 $0x20, s14;
	v9 =	vmul.f32 v9, v2;
	v10 =	vpop (erf);
	[tilespmem:s16+$0x200] =	vst v6;
	v6 =	vadd.f32 $1.232628450e-01, v12;
	vm1 =	veq.s32 v16, $0x0  }
0xb0: {  	p0 =	slt.u32 s14, $0x3E0;
	s8 =	sand.u32 $0x60, s14;
	[tilespmem:s16+$0x280] =	vst v8;
	vm2 =	veq.s32 v16, $0x1;
	v8 =	vsel vm1, $0x3F800000, v0;
	vm1 =	veq.s32 v16, $0x2  }
0xb1: {  	s9 =	sor.u32 $0x10, s8;
	s10 =	sand.u32 $0x380, s14;
	[tilespmem:s16+$0x0] =	vst v14;
	v12 =	vmul.f32 v5, v13;
	v13 =	vsel vm2, $0x3F800000, v0;
	v6 =	vmul.f32 v6, v4  }
0xb2: {  	s10 =	sor.u32 s10, s9;
	v9 =	vadd.f32 $-2.126736190e-01, v9;
	v7 =	vmul.f32 v5, v7;
	[tilespmem:s17+$0x0] =	vst v8;
	v5 =	vmovc v10;
	v8 =	vand.u32 $0x7FFFFF, v11  }
0xb3: {  	v14 =	vsel vm1, $0x3F800000, v0;
	v10 =	vld [tilespmem:s10+$0x400];
	[tilespmem:s17+$0x200] =	vst v12;
	v8 =	vor.u32 $0x3F800000, v8;
	v6 =	vadd.f32 $-2.126736190e-01, v6  }
0xb4: {  	v12 =	vsel vm0, $0x3F800000, v0;
	[tilespmem:s17+$0x280] =	vst v7;
	v16 =	vadd.f32 $-1.000000000e+00, v8  }
0xb5: {  	v7 =	vshra.s32 v1, $0x17;
	v8 =	vmul.f32 v9, v2;
	[tilespmem:s17+$0x80] =	vst v13;
	v6 =	vmul.f32 v6, v4  }
0xb6: {  	v7 =	vadd.s32 $0xFFFFFF81, v7;
	(erf) = vrcp.f32 v1;
	[tilespmem:s17+$0x100] =	vst v14;
	v1 =	vmovc v11;
	v9 =	vmul.f32 $1.294578240e-02, v16  }
.Ltmp1:
0xb7: {  	v8 =	vadd.f32 $4.339324530e-01, v8;
	v14 =	vcvt.s32.f32 v7;
	[tilespmem:s16+$0x80] =	vst v15;
	(pc) =	sbr.rel @p0 .LBB2_3-.Ltmp1, $4  }
0xb8: {  	s11 =	sadd.s32 $0x20, s11;
	v7 =	vshra.s32 v3, $0x17;
	v3 =	vmax.f32 v10, $9.999999970e-07;
	v10 =	vadd.f32 $4.339324530e-01, v6;
	[tilespmem:s16+$0x100] =	vst v12  }
0xb9: {  	s13 =	sadd.s32 $0x20, s13;
	v12 =	vadd.s32 $0xFFFFFF81, v7;
	v11 =	vand.u32 $0x7FFFFF, v3;
	(erf) = vrcp.f32 v3;
	v6 =	vld [tilespmem:s11+$0x0]  }
0xba: {  	s12 =	sadd.s32 $0x20, s12;
	v12 =	vcvt.s32.f32 v12;
	v13 =	vor.u32 $0x3F800000, v11;
	v7 =	vld [tilespmem:s13+$0x0];
	v11 =	vmul.f32 v10, v4  }
0xbb: {  	s15 =	sadd.s32 $0x20, s15;
	v10 =	vmul.f32 $3.010300100e-01, v14;
	v4 =	vadd.f32 $-1.000000000e+00, v13;
	v13 =	vmul.f32 v8, v2;
	v8 =	vld [tilespmem:s12+$0x0];
	v2 =	vmovc v16  }
0xbc: {  	v11 =	vadd.f32 $-2.499994990e+00, v11;
	v12 =	vmul.f32 $3.010300100e-01, v12;
	s4 =	sadd.s32 $0x100, s4  }
0xbd: {  	s14 =	sand.u32 $0x1C00, s4  }
0xbe: {  	v9 =	vadd.f32 $-5.643969400e-02, v9;
	v15 =	vld [tilespmem:s6+$0x0];
	v11 =	vadd.f32 v11, v12;
	s14 =	sadd.s32 $0x1000, s14  }
0xbf: {  	v31 =	vld [tilespmem:s6+$0x800];
	v3 =	vshra.s32 v3, $0x17;
	v14 =	vmul.f32 $1.294578240e-02, v4;
	vm2 =	veq.s32 v6, $0x0;
	s7 =	sor.u32 s7, s14  }
0xc0: {  	v34 =	vld [tilespmem:s6+$0xC00];
	v13 =	vadd.f32 $-2.499994990e+00, v13;
	vm1 =	veq.s32 v6, $0x1;
	s5 =	sor.u32 s5, s14;
	v35 =	vsel vm2, $0x3F800000, v0;
	[tilespmem:s7+$0x180] =	vst v11  }
0xc1: {  	v3 =	vadd.s32 $0xFFFFFF81, v3;
	vm0 =	veq.s32 v6, $0x2;
	v49 =	vsel vm1, $0x3F800000, v0;
	[tilespmem:s5+$0x0] =	vst v35  }
0xc2: {  	v9 =	vmul.f32 v9, v2;
	v10 =	vadd.f32 v13, v10;
	v32 =	vpop (erf);
	v52 =	vsel vm0, $0x3F800000, v0;
	[tilespmem:s5+$0x80] =	vst v49  }
0xc3: {  	v3 =	vcvt.s32.f32 v3;
	v14 =	vadd.f32 $-5.643969400e-02, v14;
	v33 =	vmul.f32 v32, v7;
	[tilespmem:s5+$0x100] =	vst v52  }
0xc4: {  	v41 =	vshra.s32 v1, $0x17;
	(erf) = vrcp.f32 v1;
	v8 =	vmul.f32 v32, v8;
	[tilespmem:s5+$0x180] =	vst v10  }
0xc5: {  	v50 =	vld [tilespmem:s10+$0x0];
	v9 =	vadd.f32 $1.232628450e-01, v9;
	v14 =	vmul.f32 v14, v4;
	vm7 =	veq.s32 v15, $0x0;
	[tilespmem:s5+$0x200] =	vst v33  }
0xc6: {  	s24 =	sadd.s32 $0x20, s11;
	v1 =	vadd.s32 $0xFFFFFF81, v41;
	v38 =	vmul.f32 v5, v31;
	v36 =	vsel vm7, $0x3F800000, v0;
	[tilespmem:s5+$0x280] =	vst v8  }
0xc7: {  	v43 =	vld [tilespmem:s24+$0x0];
	v40 =	vmul.f32 v5, v34;
	v9 =	vmul.f32 v9, v2;
	v14 =	vadd.f32 $1.232628450e-01, v14;
	[tilespmem:s7+$0x0] =	vst v36  }
0xc8: {  	s4 =	sadd.s32 $0x100, s4;
	v1 =	vcvt.s32.f32 v1;
	vm8 =	veq.s32 v15, $0x1;
	vm9 =	veq.s32 v15, $0x2;
	[tilespmem:s7+$0x200] =	vst v38  }
0xc9: {  	s4 =	sand.u32 $0x1C00, s4;
	v39 =	vsel vm8, $0x3F800000, v0;
	[tilespmem:s7+$0x280] =	vst v40;
	v9 =	vadd.f32 $-2.126736190e-01, v9;
	v14 =	vmul.f32 v14, v4  }
0xca: {  	s4 =	sadd.s32 $0x1000, s4;
	vm11 =	veq.s32 v50, $0x0;
	vm12 =	veq.s32 v50, $0x1;
	v47 =	vsel vm9, $0x3F800000, v0;
	[tilespmem:s7+$0x80] =	vst v39  }
0xcb: {  	v53 =	vld [tilespmem:s10+$0x800];
	s28 =	sor.u32 s9, s4;
	v57 =	vsel vm11, $0x3F800000, v0;
	[tilespmem:s7+$0x100] =	vst v47;
	v9 =	vmul.f32 v9, v2;
	v14 =	vadd.f32 $-2.126736190e-01, v14  }
0xcc: {  	s25 =	sadd.s32 $0x20, s13;
	v55 =	vld [tilespmem:s10+$0xC00];
	vm13 =	veq.s32 v50, $0x2;
	vm10 =	veq.s32 v43, $0x0;
	v60 =	vsel vm12, $0x3F800000, v0;
	[tilespmem:s28+$0x0] =	vst v57  }
0xcd: {  	v45 =	vld [tilespmem:s25+$0x0];
	v61 =	vsel vm13, $0x3F800000, v0;
	[tilespmem:s28+$0x80] =	vst v60;
	v42 =	vadd.f32 $4.339324530e-01, v9;
	v37 =	vmul.f32 v14, v4  }
0xce: {  	s26 =	sadd.s32 $0x20, s12;
	s4 =	sor.u32 s8, s4;
	vm14 =	veq.s32 v43, $0x1;
	vm15 =	veq.s32 v43, $0x2;
	v56 =	vsel vm10, $0x3F800000, v0;
	[tilespmem:s28+$0x100] =	vst v61  }
0xcf: {  	v48 =	vld [tilespmem:s26+$0x0];
	v51 =	vpop (erf);
	v62 =	vsel vm14, $0x3F800000, v0;
	[tilespmem:s4+$0x0] =	vst v56;
	v46 =	vmul.f32 v42, v2;
	v6 =	vadd.f32 $4.339324530e-01, v37  }
0xd0: {  	v1 =	vmul.f32 $3.010300100e-01, v1;
	v58 =	vmul.f32 v51, v53;
	v63 =	vsel vm15, $0x3F800000, v0;
	[tilespmem:s4+$0x80] =	vst v62  }
0xd1: {  	v59 =	vmul.f32 v51, v55;
	[tilespmem:s4+$0x100] =	vst v63;
	v54 =	vpop (erf);
	v2 =	vadd.f32 $-2.499994990e+00, v46;
	v44 =	vmul.f32 v6, v4  }
0xd2: {  	[tilespmem:s28+$0x200] =	vst v58;
	v5 =	vmul.f32 v54, v45  }
0xd3: {  	v3 =	vmul.f32 $3.010300100e-01, v3;
	[tilespmem:s28+$0x280] =	vst v59;
	v1 =	vadd.f32 v2, v1;
	v4 =	vadd.f32 $-2.499994990e+00, v44  }
0xd4: {  	[tilespmem:s4+$0x200] =	vst v5;
	v2 =	vmul.f32 v54, v48  }
0xd5: {  	[tilespmem:s4+$0x180] =	vst v1;
	v3 =	vadd.f32 v4, v3  }
0xd6: {  	s2 =	sadd.s32 s3, s2;
	s29 =	simm.s32 $0x0;
	[tilespmem:s4+$0x280] =	vst v2  }
0xd7: {  	s30 =	simm.s32 $0x2000;
	s31 =	simm.s32 $0x2;
	s2 =	sadd.s32 $0x200, s2;
	[tilespmem:s28+$0x180] =	vst v3  }
0xd8: {  	[hbm4b:s2+s29] =	stream.linear.scatter [tilespmem:s30], [sflag:$0x2], $0x1000, $0x38;
	[tilespmem:$0x3000] =	vst v63  }
0xd9: {  	_ =	swait.ge [sflag:s31], $0x1000  }
0xda: {  	[sflag:s31] =	ssyncset.done $0x0  }
0xdb: {  	[sflag:s31] =	ssyncadd.s32 $0xFFFFF000  }
0xdc: {  	_ =	swait.ge [sflag:s31], $0x1000  }
0xdd: {  	[sflag:s31] =	ssyncset.done $0x0  }
0xde: {  	[sflag:s31] =	ssyncadd.s32 $0xFFFFF000  }
0xdf: {  	_ =	sfence.sel $0x180000  }
0xe0: {  	[bflag:$0x0] =	sbarrier.arrive $0xFFFF  }
0xe1: {  	p0 =	sne.s32 s1, $0x0;
	_ =	strace $0x90000047  }
0xe2: {  	s0 =	sadd.s32 @!p0 $0x100000, s0;
	[bflag:$0x2] =	sbarrier.arrive $0xFFFF  }
0xe3: {  	[sflag:s0] =	ssyncadd.tile.s32 @!p0 $0x1;
	_ =	shalt  }
.Lfunc_end2:
_tile_overlayer_lowered:
.L_overlay_start_2:
0xe4: {  	(tag) =	ssettag $0x2  }
0xe5: {  	s0 =	rddreg [dreg:$0x0];
	s2 =	stileid.u32  }
0xe6: {  	s1 =	rddreg [dreg:$0x1];
	p0 =	sne.s32 s2, $0x0  }
0xe7: {  	s3 =	rddreg [dreg:$0x2];
	[bflag:$0x3] =	sbarrier.arrive $0xFFFF;
	s2 =	simm.s32 @!p0 $0x1C03  }
0xe8: {  	[timem:s3], [sflag:s2] =	dma.local @!p0 [hbm:s0], s1  }
0xe9: {  	s0 =	simm.s32 @!p0 $0x3  }
0xea: {  	_ =	swait.ge @!p0 [sflag:s0], s1  }
0xeb: {  	s1 =	ssub.s32 @!p0 $0x0, s1;
	[sflag:s0] =	ssyncset.done @!p0 $0x0  }
0xec: {  	[sflag:s0] =	ssyncadd.s32 @!p0 s1  }
0xed: {  	[bflag:$0x3] =	sbarrier.arrive $0xFFFF  }
0xee: {  	_ =	shalt  }

</sc_bundles>
